<compile_context>
chip_gen: v7x
topology: tpu7x:2x2x1
jax: 0.10.2.dev20260603
libtpu: 0.0.44.dev20260713+nightly
codegen_flags: <defaults>
</compile_context>

<pallas_src>
import functools

import jax
import jax.numpy as jnp
from jax import lax
from jax.experimental import pallas as pl
from jax.experimental.pallas import tpu as pltpu
from jax.experimental.pallas import tpu_sc as plsc

N = 10000
E = 320000
D = 128
N_SITES = 1024
NC = 2
NSUB = 16
NW = NC * NSUB
EPT = E // NW
L = 16

SLOT_PAD = 1152
DUMMY = N_SITES
YPT = N_SITES // NW
NBUF = 3
CAP = EPT + NBUF * 128 + 128

_mesh = plsc.VectorSubcoreMesh(core_axis_name="c", subcore_axis_name="s")


def _iota16():
    return lax.broadcasted_iota(jnp.int32, (L,), 0)


@functools.partial(
    pl.kernel,
    mesh=_mesh,
    out_type=[
        jax.ShapeDtypeStruct((NW, N), jnp.float32),
        jax.ShapeDtypeStruct((N,), jnp.int32),
        jax.ShapeDtypeStruct((1, N_SITES), jnp.int32),
        jax.ShapeDtypeStruct((NW, N_SITES), jnp.float32),
    ],
    scratch_types=[
        pltpu.VMEM((EPT,), jnp.int32),
        pltpu.VMEM((N,), jnp.float32),
        pltpu.VMEM((N,), jnp.int32),
        pltpu.VMEM((N_SITES,), jnp.int32),
        pltpu.VMEM((N_SITES,), jnp.int32),
        pltpu.VMEM((N_SITES,), jnp.float32),
        pltpu.SemaphoreType.DMA,
        pltpu.SemaphoreType.DMA,
    ],
    compiler_params=pltpu.CompilerParams(needs_layout_passes=False),
)
def _sc_deg_pos(dst_hbm, ni_hbm, deg_out, pos_out, ps_out, hsites_out,
                dst_v, hist_v, pos_v, ni_v, ps_v, hs_v, sem_d, sem_n):
    c = lax.axis_index("c")
    s = lax.axis_index("s")
    wid = s * NC + c
    ones = jnp.ones((L,), jnp.float32)
    zeros = jnp.zeros((L,), jnp.float32)
    iota = _iota16()

    d_dst = pltpu.async_copy(dst_hbm.at[pl.ds(wid * EPT, EPT)], dst_v, sem_d)
    d_ni = pltpu.async_copy(ni_hbm, ni_v, sem_n)

    def _zero(k, _):
        hist_v[pl.ds(k * L, L)] = zeros
        return 0
    lax.fori_loop(0, N // L, _zero, 0)
    d_dst.wait()

    def _hist(k, _):
        d = dst_v[pl.ds(k * L, L)]
        plsc.addupdate_scatter(hist_v, [d], ones)
        return 0
    lax.fori_loop(0, EPT // L, _hist, 0)

    pltpu.sync_copy(hist_v, deg_out.at[wid])

    d_ni.wait()

    def _hgath(k, _):
        idx = ni_v[pl.ds(k * L, L)]
        hs_v[pl.ds(k * L, L)] = plsc.load_gather(hist_v, [idx])
        return 0
    lax.fori_loop(0, N_SITES // L, _hgath, 0)
    pltpu.sync_copy(hs_v, hsites_out.at[wid])

    @pl.when(jnp.logical_and(c == 0, s == 0))
    def _tile0():
        neg = jnp.full((L,), -1, jnp.int32)

        def _init(k, _):
            pos_v[pl.ds(k * L, L)] = neg
            return 0
        lax.fori_loop(0, N // L, _init, 0)

        def _scat(k, _):
            idx = ni_v[pl.ds(k * L, L)]
            plsc.store_scatter(pos_v, [idx], iota + k * L)
            return 0
        lax.fori_loop(0, N_SITES // L, _scat, 0)

        def _gath(k, _):
            idx = ni_v[pl.ds(k * L, L)]
            ps_v[pl.ds(k * L, L)] = plsc.load_gather(pos_v, [idx])
            return 0
        lax.fori_loop(0, N_SITES // L, _gath, 0)

        pltpu.sync_copy(pos_v, pos_out)
        pltpu.sync_copy(ps_v, ps_out.at[0])


def _tc_y_body(x_ref, w_ref, deg_ref, y_ref):
    deg = jnp.sum(deg_ref[...], axis=0) + 1.0
    dinv = lax.rsqrt(deg)
    xw = jnp.dot(x_ref[...], w_ref[...], preferred_element_type=jnp.float32)
    y_ref[...] = xw * dinv[:, None]


def _tc_y(x, w_conv, deg):
    return pl.pallas_call(
        _tc_y_body,
        out_shape=jax.ShapeDtypeStruct((N, D), jnp.float32),
    )(x, w_conv, deg)


@functools.partial(
    pl.kernel,
    mesh=_mesh,
    out_type=[
        jax.ShapeDtypeStruct((NC, SLOT_PAD, D), jnp.float32),
        jax.ShapeDtypeStruct((N_SITES, D), jnp.float32),
    ],
    scratch_types=[
        pltpu.VMEM((EPT,), jnp.int32),
        pltpu.VMEM((EPT,), jnp.int32),
        pltpu.VMEM((N,), jnp.int32),
        pltpu.VMEM((CAP,), jnp.int32),
        pltpu.VMEM((CAP,), jnp.int32),
        pltpu.VMEM((NBUF, 128), jnp.int32),
        pltpu.VMEM((128, D), jnp.float32),
        pltpu.VMEM((128, D), jnp.float32),
        pltpu.VMEM((128, D), jnp.float32),
        pltpu.VMEM((YPT,), jnp.int32),
        pltpu.VMEM((YPT, D), jnp.float32),
        pltpu.VMEM_SHARED((SLOT_PAD, D), jnp.float32),
        pltpu.SemaphoreType.DMA,
        pltpu.SemaphoreType.DMA,
        pltpu.SemaphoreType.DMA,
        pltpu.SemaphoreType.DMA,
        pltpu.SemaphoreType.DMA,
        pltpu.SemaphoreType.DMA,
    ],
    compiler_params=pltpu.CompilerParams(needs_layout_passes=False),
)
def _sc_edges(src_hbm, dst_hbm, pos_hbm, ni_hbm, y_hbm,
              hacc_out, ysites_out,
              src_v, dst_v, pos_v, csrc_v, cpos_v, idx2_v,
              rows0_v, rows1_v, rows2_v,
              ni_v, yrow_v, hacc_sh,
              sem_s, sem_d, sem_p, gsem0, gsem1, gsem2):
    c = lax.axis_index("c")
    s = lax.axis_index("s")
    wid = s * NC + c
    iota = _iota16()
    zeros = jnp.zeros((L,), jnp.float32)

    base = wid * EPT
    d_src = pltpu.async_copy(src_hbm.at[pl.ds(base, EPT)], src_v, sem_s)
    d_dst = pltpu.async_copy(dst_hbm.at[pl.ds(base, EPT)], dst_v, sem_d)
    d_pos = pltpu.async_copy(pos_hbm, pos_v, sem_p)

    ZR = SLOT_PAD // NSUB

    def _zr(i, _):
        def _zc(j, _):
            rows0_v[i, pl.ds(j * L, L)] = zeros
            return 0
        lax.fori_loop(0, D // L, _zc, 0)
        return 0
    lax.fori_loop(0, ZR, _zr, 0)
    pltpu.sync_copy(rows0_v.at[pl.ds(0, ZR)], hacc_sh.at[pl.ds(s * ZR, ZR)])

    plsc.subcore_barrier()
    d_src.wait()
    d_dst.wait()
    d_pos.wait()

    def _filt(k, off):
        sv = src_v[pl.ds(k * L, L)]
        dv = dst_v[pl.ds(k * L, L)]
        p = plsc.load_gather(pos_v, [dv])
        m = p >= 0
        plsc.store_compressed(csrc_v.at[pl.ds(off, L)], sv, mask=m)
        plsc.store_compressed(cpos_v.at[pl.ds(off, L)], p, mask=m)
        return off + jnp.sum(jnp.where(m, 1, 0))
    off = lax.fori_loop(0, EPT // L, _filt, jnp.int32(0))

    pad_src = jnp.zeros((L,), jnp.int32)
    pad_pos = jnp.full((L,), DUMMY, jnp.int32)

    def _pad(t, _):
        csrc_v[pl.ds(off + t * L, L)] = pad_src
        cpos_v[pl.ds(off + t * L, L)] = pad_pos
        return 0
    lax.fori_loop(0, NBUF * 128 // L, _pad, 0)

    ngrp = (off + NBUF * 128 - 1) // (NBUF * 128)

    bufs = ((rows0_v, gsem0), (rows1_v, gsem1), (rows2_v, gsem2))

    def _fill_idx(b, j):
        def _mv(t, _):
            idx2_v[b, pl.ds(t * L, L)] = cpos_v[pl.ds(j * 128 + t * L, L)]
            return 0
        lax.fori_loop(0, 128 // L, _mv, 0)

    def _gather(j, rows, gsem):
        return pltpu.async_copy(y_hbm.at[csrc_v.at[pl.ds(j * 128, 128)]],
                                rows, gsem)

    def _drain(rows, gsem):
        pltpu.make_async_copy(y_hbm.at[pl.ds(0, 128)], rows, gsem).wait()

    @pl.when(ngrp > 0)
    def _prime():
        for b, (rows, gsem) in enumerate(bufs):
            _gather(b, rows, gsem)

    def _grp(g, _):
        j0 = NBUF * g
        for b, (rows, gsem) in enumerate(bufs):
            _drain(rows, gsem)
            _fill_idx(b, j0 + b)
            pltpu.sync_copy(rows, hacc_sh.at[idx2_v.at[b]], add=True)

        @pl.when(g + 1 < ngrp)
        def _next():
            for b, (rows, gsem) in enumerate(bufs):
                _gather(j0 + NBUF + b, rows, gsem)
        return 0
    lax.fori_loop(0, ngrp, _grp, 0)

    ybase = wid * YPT
    pltpu.sync_copy(ni_hbm.at[pl.ds(ybase, YPT)], ni_v)
    pltpu.async_copy(y_hbm.at[ni_v], yrow_v, sem_p).wait()
    pltpu.sync_copy(yrow_v, ysites_out.at[pl.ds(ybase, YPT)])

    plsc.subcore_barrier()

    pltpu.sync_copy(hacc_sh.at[pl.ds(s * ZR, ZR)],
                    hacc_out.at[c, pl.ds(s * ZR, ZR)])


def _leaky(v):
    return jnp.where(v > 0, v, 0.01 * v)


def _tc_head_body(hacc_ref, ysites_ref, ps_ref, hs_ref, bconv_ref,
                  wpro_ref, bpro_ref, w1_ref, b1_ref, w2_ref, b2_ref,
                  wout_ref, bout_ref, out_ref):
    hacc = hacc_ref[0, :N_SITES, :] + hacc_ref[1, :N_SITES, :]
    ones_col = jnp.ones((NW, 1), jnp.float32)
    deg_col = lax.dot_general(hs_ref[...], ones_col, (((0,), (0,)), ((), ())),
                              preferred_element_type=jnp.float32)
    dinv_col = lax.rsqrt(deg_col + 1.0)
    slot_iota = lax.broadcasted_iota(jnp.int32, (N_SITES, N_SITES), 0)
    pt = jnp.where(slot_iota == ps_ref[...], 1.0, 0.0)
    h = lax.dot_general(pt, hacc, (((0,), (0,)), ((), ())),
                        preferred_element_type=jnp.float32)
    h = (h + ysites_ref[...]) * dinv_col
    h = _leaky(h + bconv_ref[...])
    h = _leaky(jnp.dot(h, wpro_ref[...], preferred_element_type=jnp.float32)
               + bpro_ref[...])
    h = _leaky(jnp.dot(h, w1_ref[...], preferred_element_type=jnp.float32)
               + b1_ref[...])
    h = _leaky(jnp.dot(h, w2_ref[...], preferred_element_type=jnp.float32)
               + b2_ref[...])
    logits = jnp.dot(h, wout_ref[...], preferred_element_type=jnp.float32) \
        + bout_ref[...]
    m = jnp.max(logits, axis=1, keepdims=True)
    e = jnp.exp(logits - m)
    out_ref[...] = e / jnp.sum(e, axis=1, keepdims=True)


def _tc_head(hacc, ysites, ps, hsites, b_conv, w_pro, b_pro, w1, b1, w2, b2,
             w_out, b_out):
    return pl.pallas_call(
        _tc_head_body,
        out_shape=jax.ShapeDtypeStruct((N_SITES, 10), jnp.float32),
    )(hacc, ysites, ps, hsites, b_conv[None, :], w_pro, b_pro[None, :],
      w1, b1[None, :], w2, b2[None, :], w_out, b_out[None, :])


def kernel(x, edge_index, node_index, W_conv, b_conv, W_pro, b_pro,
           W1, b1, W2, b2, W_out, b_out):
    src = edge_index[0]
    dst = edge_index[1]
    deg, pos, ps, hsites = _sc_deg_pos(dst, node_index)
    y = _tc_y(x, W_conv, deg)
    hacc, ysites = _sc_edges(src, dst, pos, node_index, y)
    return _tc_head(hacc, ysites, ps, hsites, b_conv, W_pro, b_pro,
                    W1, b1, W2, b2, W_out, b_out)

# --- scband reference (transcript-rebuilt; emitter-appended) ---
"""Pipeline reference for scband-gcnn-43104291783024 (READ-ONLY COPY).

The authoritative reference and input builder live on the scoring server;
editing this copy changes nothing except your own understanding.
"""

import jax, jax.numpy as jnp
import numpy as np

N = 10000
E = 320000
D = 128          # num_features_pro (concatenated residue encoding + asa + b_factor)
OUT_DIM = 128    # output_dim
N_OUT = 10       # n_output
N_SITES = 1024


def _leaky_relu(x):
    return jnp.where(x > 0, x, 0.01 * x)


def setup_inputs(seed: int = 0) -> dict:
    key = jax.random.key(seed)
    ks = jax.random.split(key, 16)
    x = jax.random.normal(ks[0], (N, D), dtype=jnp.float32)
    edge_index = jax.random.randint(ks[1], (2, E), 0, N, dtype=jnp.int32)
    node_index = jax.random.randint(ks[2], (N_SITES,), 0, N, dtype=jnp.int32)
    s = 0.05
    W_conv = jax.random.normal(ks[3], (D, D), dtype=jnp.float32) * s
    b_conv = jnp.zeros((D,), dtype=jnp.float32)
    W_pro = jax.random.normal(ks[4], (D, OUT_DIM), dtype=jnp.float32) * s
    b_pro = jnp.zeros((OUT_DIM,), dtype=jnp.float32)
    W1 = jax.random.normal(ks[5], (OUT_DIM, 128), dtype=jnp.float32) * s
    b1 = jnp.zeros((128,), dtype=jnp.float32)
    W2 = jax.random.normal(ks[6], (128, 64), dtype=jnp.float32) * s
    b2 = jnp.zeros((64,), dtype=jnp.float32)
    W_out = jax.random.normal(ks[7], (64, N_OUT), dtype=jnp.float32) * s
    b_out = jnp.zeros((N_OUT,), dtype=jnp.float32)
    return {
        "x": x, "edge_index": edge_index, "node_index": node_index,
        "W_conv": W_conv, "b_conv": b_conv,
        "W_pro": W_pro, "b_pro": b_pro,
        "W1": W1, "b1": b1, "W2": W2, "b2": b2,
        "W_out": W_out, "b_out": b_out,
    }


def _gcn_conv(x, edge_index, W, b):
    # PyG GCNConv: add self-loops, symmetric normalization D^-1/2 (A+I) D^-1/2 X W + b
    n = x.shape[0]
    loop = jnp.arange(n, dtype=edge_index.dtype)
    src = jnp.concatenate([edge_index[0], loop])
    dst = jnp.concatenate([edge_index[1], loop])
    deg = jnp.zeros((n,), dtype=x.dtype).at[dst].add(1.0)
    dinv = jnp.where(deg > 0, jax.lax.rsqrt(deg), 0.0)
    norm = dinv[src] * dinv[dst]
    xw = x @ W
    msg = xw[src] * norm[:, None]
    out = jax.ops.segment_sum(msg, dst, num_segments=n)
    return out + b


def reference(x, edge_index, node_index, W_conv, b_conv, W_pro, b_pro, W1, b1, W2, b2, W_out, b_out):
    h = _gcn_conv(x, edge_index, W_conv, b_conv)
    h = _leaky_relu(h)
    # embedding_method == 'node': select phosphosite node embeddings
    h = h[node_index]
    h = h @ W_pro + b_pro
    h = _leaky_relu(h)  # dropout = identity (eval)
    h = h @ W1 + b1
    h = _leaky_relu(h)
    h = h @ W2 + b2
    h = _leaky_relu(h)
    out = h @ W_out + b_out
    out = jax.nn.softmax(out, axis=1)
    return out

if __name__ == "__main__":
    import jax
    _d = setup_inputs()
    print(jax.jit(kernel)(*tuple(_d.values())))

</pallas_src>

<mosaic_0001>
#map = affine_map<(d0, d1) -> (0)>
#map1 = affine_map<(d0, d1) -> (0, 0)>
#map2 = affine_map<(d0, d1) -> (0, 0, 0)>
module attributes {stable_mosaic.version = 14 : i64} {
  func.func @_sc_edges(%arg0: i32, %arg1: i32, %arg2: memref<320000xi32, #tpu.memory_space<hbm>>, %arg3: memref<320000xi32, #tpu.memory_space<hbm>>, %arg4: memref<10000xi32, #tpu.memory_space<hbm>>, %arg5: memref<1024xi32, #tpu.memory_space<hbm>>, %arg6: memref<10000x128xf32, #tpu.memory_space<hbm>>, %arg7: memref<2x1152x128xf32, #tpu.memory_space<hbm>>, %arg8: memref<1024x128xf32, #tpu.memory_space<hbm>>, %arg9: memref<10000xi32, #tpu.memory_space<vmem>>, %arg10: memref<10000xi32, #tpu.memory_space<vmem>>, %arg11: memref<10000xi32, #tpu.memory_space<vmem>>, %arg12: memref<10512xi32, #tpu.memory_space<vmem>>, %arg13: memref<10512xi32, #tpu.memory_space<vmem>>, %arg14: memref<3x128xi32, #tpu.memory_space<vmem>>, %arg15: memref<128x128xf32, #tpu.memory_space<vmem>>, %arg16: memref<128x128xf32, #tpu.memory_space<vmem>>, %arg17: memref<128x128xf32, #tpu.memory_space<vmem>>, %arg18: memref<32xi32, #tpu.memory_space<vmem>>, %arg19: memref<32x128xf32, #tpu.memory_space<vmem>>, %arg20: memref<1152x128xf32, #tpu.memory_space<vmem_shared>>, %arg21: memref<!tpu.dma_semaphore, #tpu.memory_space<semaphore_mem>>, %arg22: memref<!tpu.dma_semaphore, #tpu.memory_space<semaphore_mem>>, %arg23: memref<!tpu.dma_semaphore, #tpu.memory_space<semaphore_mem>>, %arg24: memref<!tpu.dma_semaphore, #tpu.memory_space<semaphore_mem>>, %arg25: memref<!tpu.dma_semaphore, #tpu.memory_space<semaphore_mem>>, %arg26: memref<!tpu.dma_semaphore, #tpu.memory_space<semaphore_mem>>) attributes {dimension_semantics = [#tpu.dimension_semantics<core_parallel>, #tpu.dimension_semantics<subcore_parallel>], iteration_bounds = array<i64: 2, 16>, scalar_prefetch = 0 : i64, scratch_operands = 18 : i64, tpu.core_type = #tpu.core_type<sc_vector_subcore>, window_params = [{transform_indices = #map}, {transform_indices = #map}, {transform_indices = #map}, {transform_indices = #map}, {transform_indices = #map1}, {transform_indices = #map2}, {transform_indices = #map1}]} {
    %mul3A = arith.constant 2 : i32
    %mul3A_0 = arith.muli %arg1, %mul3A : i32
    %add3A = arith.addi %mul3A_0, %arg0 : i32
    %iota3A = tpu.iota {dimensions = array<i32: 0>} : vector<16xi32>
    %broadcast_in_dim3A = arith.constant 0.000000e+00 : f32
    %broadcast_in_dim3A_1 = vector.broadcast %broadcast_in_dim3A : f32 to vector<16xf32>
    %mul3A_2 = arith.constant 10000 : i32
    %mul3A_3 = arith.muli %add3A, %mul3A_2 : i32
    %dma_start3A = tpu.memref_slice %arg2[%mul3A_3] : memref<320000xi32, #tpu.memory_space<hbm>> -> memref<10000xi32, #tpu.memory_space<hbm>>
    %dma_start3A_4 = tpu.memref_slice %arg2[%mul3A_3] : memref<320000xi32, #tpu.memory_space<hbm>> -> memref<10000xi32, #tpu.memory_space<hbm>>
    tpu.enqueue_dma source(%dma_start3A_4 : memref<10000xi32, #tpu.memory_space<hbm>>) target(%arg9 : memref<10000xi32, #tpu.memory_space<vmem>>) target_semaphore(%arg21 : memref<!tpu.dma_semaphore, #tpu.memory_space<semaphore_mem>>)
    %dma_start3A_5 = tpu.memref_slice %arg3[%mul3A_3] : memref<320000xi32, #tpu.memory_space<hbm>> -> memref<10000xi32, #tpu.memory_space<hbm>>
    %dma_start3A_6 = tpu.memref_slice %arg3[%mul3A_3] : memref<320000xi32, #tpu.memory_space<hbm>> -> memref<10000xi32, #tpu.memory_space<hbm>>
    tpu.enqueue_dma source(%dma_start3A_6 : memref<10000xi32, #tpu.memory_space<hbm>>) target(%arg10 : memref<10000xi32, #tpu.memory_space<vmem>>) target_semaphore(%arg22 : memref<!tpu.dma_semaphore, #tpu.memory_space<semaphore_mem>>)
    tpu.enqueue_dma source(%arg4 : memref<10000xi32, #tpu.memory_space<hbm>>) target(%arg11 : memref<10000xi32, #tpu.memory_space<vmem>>) target_semaphore(%arg23 : memref<!tpu.dma_semaphore, #tpu.memory_space<semaphore_mem>>)
    %scan3A = arith.constant 0 : i32
    %scan3A_7 = arith.constant 0 : i32
    %scan3A_8 = arith.constant 72 : i32
    %scan3A_9 = arith.addi %scan3A_7, %scan3A_8 : i32
    %scan3A_10 = arith.constant 1 : i32
    %scan3A_11 = scf.for %scan3A_82 = %scan3A_7 to %scan3A_9 step %scan3A_10 iter_args(%scan3A_83 = %scan3A) -> (i32)  : i32 {
      %scan3A_84 = arith.constant 0 : i32
      %scan3A_85 = arith.constant 0 : i32
      %scan3A_86 = arith.constant 8 : i32
      %scan3A_87 = arith.addi %scan3A_85, %scan3A_86 : i32
      %scan3A_88 = arith.constant 1 : i32
      %scan3A_89 = scf.for %scan3A_92 = %scan3A_85 to %scan3A_87 step %scan3A_88 iter_args(%scan3A_93 = %scan3A_84) -> (i32)  : i32 {
        %mul3A_94 = arith.constant 16 : i32
        %mul3A_95 = arith.muli %scan3A_92, %mul3A_94 : i32
        %swap3A = arith.index_cast %scan3A_82 : i32 to index
        %swap3A_96 = arith.index_cast %mul3A_95 : i32 to index
        %swap3A_97 = tpu.vector_load %arg15[%swap3A, %swap3A_96] {strides = array<i32>} : memref<128x128xf32, #tpu.memory_space<vmem>>, vector<16xf32>,
        tpu.vector_store %arg15[%swap3A, %swap3A_96], %broadcast_in_dim3A_1 {strides = array<i32>} : memref<128x128xf32, #tpu.memory_space<vmem>>, vector<16xf32>,
        %scan3A_98 = arith.constant 0 : i32
        scf.yield %scan3A_98 : i32
      }
      %scan3A_90 = arith.constant 8 : i32
      %scan3A_91 = arith.constant 0 : i32
      scf.yield %scan3A_91 : i32
    }
    %scan3A_12 = arith.constant 72 : i32
    %mul3A_13 = arith.constant 72 : i32
    %mul3A_14 = arith.muli %arg1, %mul3A_13 : i32
    "tpu.region"() ({
      %run_scoped3A = tpu.sem_alloc : memref<!tpu.dma_semaphore, #tpu.memory_space<semaphore_mem>>
      %dma_start3A_82 = arith.constant 0 : i32
      %dma_start3A_83 = arith.constant 0 : i32
      %dma_start3A_84 = tpu.memref_slice %arg15[%dma_start3A_82, %dma_start3A_83] : memref<128x128xf32, #tpu.memory_space<vmem>> -> memref<72x128xf32, #tpu.memory_space<vmem>>
      %dma_start3A_85 = arith.constant 0 : i32
      %dma_start3A_86 = tpu.memref_slice %arg20[%mul3A_14, %dma_start3A_85] : memref<1152x128xf32, #tpu.memory_space<vmem_shared>> -> memref<72x128xf32, #tpu.memory_space<vmem_shared>>
      %dma_start3A_87 = arith.constant 0 : i32
      %dma_start3A_88 = tpu.memref_slice %arg20[%mul3A_14, %dma_start3A_87] : memref<1152x128xf32, #tpu.memory_space<vmem_shared>> -> memref<72x128xf32, #tpu.memory_space<vmem_shared>>
      %dma_start3A_89 = arith.constant 0 : i32
      %dma_start3A_90 = arith.constant 0 : i32
      %dma_start3A_91 = tpu.memref_slice %arg15[%dma_start3A_89, %dma_start3A_90] : memref<128x128xf32, #tpu.memory_space<vmem>> -> memref<72x128xf32, #tpu.memory_space<vmem>>
      tpu.enqueue_dma source(%dma_start3A_91 : memref<72x128xf32, #tpu.memory_space<vmem>>) target(%dma_start3A_88 : memref<72x128xf32, #tpu.memory_space<vmem_shared>>) target_semaphore(%run_scoped3A : memref<!tpu.dma_semaphore, #tpu.memory_space<semaphore_mem>>)
      %dma_wait3A_92 = arith.constant 0 : i32
      %dma_wait3A_93 = arith.constant 0 : i32
      %dma_wait3A_94 = tpu.memref_slice %arg15[%dma_wait3A_92, %dma_wait3A_93] : memref<128x128xf32, #tpu.memory_space<vmem>> -> memref<72x128xf32, #tpu.memory_space<vmem>>
      %dma_wait3A_95 = arith.constant 0 : i32
      %dma_wait3A_96 = tpu.memref_slice %arg20[%mul3A_14, %dma_wait3A_95] : memref<1152x128xf32, #tpu.memory_space<vmem_shared>> -> memref<72x128xf32, #tpu.memory_space<vmem_shared>>
      %dma_wait3A_97 = arith.constant 0 : i32
      %dma_wait3A_98 = tpu.memref_slice %arg20[%mul3A_14, %dma_wait3A_97] : memref<1152x128xf32, #tpu.memory_space<vmem_shared>> -> memref<72x128xf32, #tpu.memory_space<vmem_shared>>
      %dma_wait3A_99 = arith.constant 0 : i32
      %dma_wait3A_100 = arith.constant 0 : i32
      %dma_wait3A_101 = tpu.memref_slice %arg15[%dma_wait3A_99, %dma_wait3A_100] : memref<128x128xf32, #tpu.memory_space<vmem>> -> memref<72x128xf32, #tpu.memory_space<vmem>>
      tpu.wait_dma2 semaphore(%run_scoped3A : memref<!tpu.dma_semaphore, #tpu.memory_space<semaphore_mem>>) src(%dma_wait3A_101 : memref<72x128xf32, #tpu.memory_space<vmem>>) dst(%dma_wait3A_98 : memref<72x128xf32, #tpu.memory_space<vmem_shared>>)
      tpu.yield
    }) : () -> ()
    %barrier3A = arith.constant 0 : index
    tpu.barrier barrier_id(%barrier3A)
    %dma_wait3A = tpu.memref_slice %arg2[%mul3A_3] : memref<320000xi32, #tpu.memory_space<hbm>> -> memref<10000xi32, #tpu.memory_space<hbm>>
    %dma_wait3A_15 = tpu.memref_slice %arg2[%mul3A_3] : memref<320000xi32, #tpu.memory_space<hbm>> -> memref<10000xi32, #tpu.memory_space<hbm>>
    tpu.wait_dma2 semaphore(%arg21 : memref<!tpu.dma_semaphore, #tpu.memory_space<semaphore_mem>>) src(%dma_wait3A_15 : memref<10000xi32, #tpu.memory_space<hbm>>) dst(%arg9 : memref<10000xi32, #tpu.memory_space<vmem>>)
    %dma_wait3A_16 = tpu.memref_slice %arg3[%mul3A_3] : memref<320000xi32, #tpu.memory_space<hbm>> -> memref<10000xi32, #tpu.memory_space<hbm>>
    %dma_wait3A_17 = tpu.memref_slice %arg3[%mul3A_3] : memref<320000xi32, #tpu.memory_space<hbm>> -> memref<10000xi32, #tpu.memory_space<hbm>>
    tpu.wait_dma2 semaphore(%arg22 : memref<!tpu.dma_semaphore, #tpu.memory_space<semaphore_mem>>) src(%dma_wait3A_17 : memref<10000xi32, #tpu.memory_space<hbm>>) dst(%arg10 : memref<10000xi32, #tpu.memory_space<vmem>>)
    tpu.wait_dma2 semaphore(%arg23 : memref<!tpu.dma_semaphore, #tpu.memory_space<semaphore_mem>>) src(%arg4 : memref<10000xi32, #tpu.memory_space<hbm>>) dst(%arg11 : memref<10000xi32, #tpu.memory_space<vmem>>)
    %scan3A_18 = arith.constant 0 : i32
    %scan3A_19 = arith.constant 0 : i32
    %scan3A_20 = arith.constant 625 : i32
    %scan3A_21 = arith.addi %scan3A_19, %scan3A_20 : i32
    %scan3A_22 = arith.constant 1 : i32
    %scan3A_23 = scf.for %scan3A_82 = %scan3A_19 to %scan3A_21 step %scan3A_22 iter_args(%scan3A_83 = %scan3A_18) -> (i32)  : i32 {
      %mul3A_84 = arith.constant 16 : i32
      %mul3A_85 = arith.muli %scan3A_82, %mul3A_84 : i32
      %get3A = arith.index_cast %mul3A_85 : i32 to index
      %get3A_86 = tpu.vector_load %arg9[%get3A] {strides = array<i32>} : memref<10000xi32, #tpu.memory_space<vmem>>, vector<16xi32>,
      %mul3A_87 = arith.constant 16 : i32
      %mul3A_88 = arith.muli %scan3A_82, %mul3A_87 : i32
      %get3A_89 = arith.index_cast %mul3A_88 : i32 to index
      %get3A_90 = tpu.vector_load %arg10[%get3A_89] {strides = array<i32>} : memref<10000xi32, #tpu.memory_space<vmem>>, vector<16xi32>,
      %gather3A = tpu.vector_load_idx %arg11[%get3A_90] : memref<10000xi32, #tpu.memory_space<vmem>>[vector<16xi32>], vector<16xi32>,
      %ge3A = arith.constant 0 : i32
      %ge3A_91 = vector.broadcast %ge3A : i32 to vector<16xi32>
      %ge3A_92 = arith.cmpi sge, %gather3A, %ge3A_91 : vector<16xi32>
      %swap3A = arith.index_cast %scan3A_83 : i32 to index
      %swap3A_93 = tpu.vector_load %arg12[%swap3A] masked %ge3A_92 {strides = array<i32>} : memref<10512xi32, #tpu.memory_space<vmem>>, vector<16xi32>, vector<16xi1>
      tpu.vector_store %arg12[%swap3A], %get3A_86 masked %ge3A_92 {strides = array<i32>} : memref<10512xi32, #tpu.memory_space<vmem>>, vector<16xi32>, vector<16xi1>
      %swap3A_94 = arith.index_cast %scan3A_83 : i32 to index
      %swap3A_95 = tpu.vector_load %arg13[%swap3A_94] masked %ge3A_92 {strides = array<i32>} : memref<10512xi32, #tpu.memory_space<vmem>>, vector<16xi32>, vector<16xi1>
      tpu.vector_store %arg13[%swap3A_94], %gather3A masked %ge3A_92 {strides = array<i32>} : memref<10512xi32, #tpu.memory_space<vmem>>, vector<16xi32>, vector<16xi1>
      %jit3A_96 = arith.constant 1 : i32
      %jit3A_97 = arith.constant 0 : i32
      %broadcast_in_dim3A_98 = vector.broadcast %jit3A_96 : i32 to vector<16xi32>
      %broadcast_in_dim3A_99 = vector.broadcast %jit3A_97 : i32 to vector<16xi32>
      %select_n3A_100 = arith.select %ge3A_92, %broadcast_in_dim3A_98, %broadcast_in_dim3A_99 : vector<16xi1>, vector<16xi32>
      %reduce_sum3A = arith.constant true
      %reduce_sum3A_101 = vector.broadcast %reduce_sum3A : i1 to vector<16xi1>
      %reduce_sum3A_102 = tpu.scan <sum>, %select_n3A_100 masked %reduce_sum3A_101 : vector<16xi32>, vector<16xi1> -> vector<16xi32>
      %reduce_sum3A_103 = vector.extract %reduce_sum3A_102[15] : i32 from vector<16xi32>
      %add3A_104 = arith.addi %scan3A_83, %reduce_sum3A_103 : i32
      scf.yield %add3A_104 : i32
    }
    %scan3A_24 = arith.constant 625 : i32
    %broadcast_in_dim3A_25 = arith.constant 0 : i32
    %broadcast_in_dim3A_26 = vector.broadcast %broadcast_in_dim3A_25 : i32 to vector<16xi32>
    %broadcast_in_dim3A_27 = arith.constant 1024 : i32
    %broadcast_in_dim3A_28 = vector.broadcast %broadcast_in_dim3A_27 : i32 to vector<16xi32>
    %scan3A_29 = arith.constant 0 : i32
    %scan3A_30 = arith.constant 0 : i32
    %scan3A_31 = arith.constant 24 : i32
    %scan3A_32 = arith.addi %scan3A_30, %scan3A_31 : i32
    %scan3A_33 = arith.constant 1 : i32
    %scan3A_34 = scf.for %scan3A_82 = %scan3A_30 to %scan3A_32 step %scan3A_33 iter_args(%scan3A_83 = %scan3A_29) -> (i32)  : i32 {
      %mul3A_84 = arith.constant 16 : i32
      %mul3A_85 = arith.muli %scan3A_82, %mul3A_84 : i32
      %add3A_86 = arith.addi %scan3A_23, %mul3A_85 : i32
      %swap3A = arith.index_cast %add3A_86 : i32 to index
      %swap3A_87 = tpu.vector_load %arg12[%swap3A] {strides = array<i32>} : memref<10512xi32, #tpu.memory_space<vmem>>, vector<16xi32>,
      tpu.vector_store %arg12[%swap3A], %broadcast_in_dim3A_26 {strides = array<i32>} : memref<10512xi32, #tpu.memory_space<vmem>>, vector<16xi32>,
      %mul3A_88 = arith.constant 16 : i32
      %mul3A_89 = arith.muli %scan3A_82, %mul3A_88 : i32
      %add3A_90 = arith.addi %scan3A_23, %mul3A_89 : i32
      %swap3A_91 = arith.index_cast %add3A_90 : i32 to index
      %swap3A_92 = tpu.vector_load %arg13[%swap3A_91] {strides = array<i32>} : memref<10512xi32, #tpu.memory_space<vmem>>, vector<16xi32>,
      tpu.vector_store %arg13[%swap3A_91], %broadcast_in_dim3A_28 {strides = array<i32>} : memref<10512xi32, #tpu.memory_space<vmem>>, vector<16xi32>,
      %scan3A_93 = arith.constant 0 : i32
      scf.yield %scan3A_93 : i32
    }
    %scan3A_35 = arith.constant 24 : i32
    %add3A_36 = arith.constant 384 : i32
    %add3A_37 = arith.addi %scan3A_23, %add3A_36 : i32
    %sub3A = arith.constant 1 : i32
    %sub3A_38 = arith.subi %add3A_37, %sub3A : i32
    %jit3A = arith.constant 384 : i32
    %div3A = arith.divsi %sub3A_38, %jit3A : i32
    %sign3A = arith.constant 0 : i32
    %sign3A_39 = arith.cmpi sgt, %sub3A_38, %sign3A : i32
    %sign3A_40 = arith.extui %sign3A_39 : i1 to i32
    %sign3A_41 = arith.constant 0 : i32
    %sign3A_42 = arith.cmpi slt, %sub3A_38, %sign3A_41 : i32
    %sign3A_43 = arith.extui %sign3A_42 : i1 to i32
    %sign3A_44 = arith.subi %sign3A_40, %sign3A_43 : i32
    %sign3A_45 = arith.constant 0 : i32
    %sign3A_46 = arith.cmpi sgt, %jit3A, %sign3A_45 : i32
    %sign3A_47 = arith.extui %sign3A_46 : i1 to i32
    %sign3A_48 = arith.constant 0 : i32
    %sign3A_49 = arith.cmpi slt, %jit3A, %sign3A_48 : i32
    %sign3A_50 = arith.extui %sign3A_49 : i1 to i32
    %sign3A_51 = arith.subi %sign3A_47, %sign3A_50 : i32
    %ne3A = arith.cmpi ne, %sign3A_44, %sign3A_51 : i32
    %rem3A = arith.remsi %sub3A_38, %jit3A : i32
    %ne3A_52 = arith.constant 0 : i32
    %ne3A_53 = arith.cmpi ne, %rem3A, %ne3A_52 : i32
    %and3A = arith.andi %ne3A, %ne3A_53 : i1
    %sub3A_54 = arith.constant 1 : i32
    %sub3A_55 = arith.subi %div3A, %sub3A_54 : i32
    %select_n3A = arith.select %and3A, %sub3A_55, %div3A : i32
    %gt3A = arith.constant 0 : i32
    %gt3A_56 = arith.cmpi sgt, %select_n3A, %gt3A : i32
    %convert_element_type3A = arith.extui %gt3A_56 : i1 to i32
    %cond3A = arith.constant 0 : i32
    %cond3A_57 = arith.cmpi ne, %convert_element_type3A, %cond3A : i32
    scf.if %cond3A_57 {
      %dma_start3A_82 = arith.constant 0 : i32
      %dma_start3A_83 = tpu.memref_slice %arg12[%dma_start3A_82] : memref<10512xi32, #tpu.memory_space<vmem>> -> memref<128xi32, #tpu.memory_space<vmem>>
      %dma_start3A_84 = arith.constant 0 : i32
      %dma_start3A_85 = arith.constant 0 : i32
      %dma_start3A_86 = tpu.memref_slice %arg6[%dma_start3A_84, %dma_start3A_85] : memref<10000x128xf32, #tpu.memory_space<hbm>> -> memref<10000x128xf32, #tpu.memory_space<hbm>>
      tpu.enqueue_indirect_dma source(%dma_start3A_86 : memref<10000x128xf32, #tpu.memory_space<hbm>>) target(%arg15 : memref<128x128xf32, #tpu.memory_space<vmem>>) offsets(%dma_start3A_83 : memref<128xi32, #tpu.memory_space<vmem>>) semaphore(%arg24 : memref<!tpu.dma_semaphore, #tpu.memory_space<semaphore_mem>>)
      %dma_start3A_87 = arith.constant 128 : i32
      %dma_start3A_88 = tpu.memref_slice %arg12[%dma_start3A_87] : memref<10512xi32, #tpu.memory_space<vmem>> -> memref<128xi32, #tpu.memory_space<vmem>>
      %dma_start3A_89 = arith.constant 0 : i32
      %dma_start3A_90 = arith.constant 0 : i32
      %dma_start3A_91 = tpu.memref_slice %arg6[%dma_start3A_89, %dma_start3A_90] : memref<10000x128xf32, #tpu.memory_space<hbm>> -> memref<10000x128xf32, #tpu.memory_space<hbm>>
      tpu.enqueue_indirect_dma source(%dma_start3A_91 : memref<10000x128xf32, #tpu.memory_space<hbm>>) target(%arg16 : memref<128x128xf32, #tpu.memory_space<vmem>>) offsets(%dma_start3A_88 : memref<128xi32, #tpu.memory_space<vmem>>) semaphore(%arg25 : memref<!tpu.dma_semaphore, #tpu.memory_space<semaphore_mem>>)
      %dma_start3A_92 = arith.constant 256 : i32
      %dma_start3A_93 = tpu.memref_slice %arg12[%dma_start3A_92] : memref<10512xi32, #tpu.memory_space<vmem>> -> memref<128xi32, #tpu.memory_space<vmem>>
      %dma_start3A_94 = arith.constant 0 : i32
      %dma_start3A_95 = arith.constant 0 : i32
      %dma_start3A_96 = tpu.memref_slice %arg6[%dma_start3A_94, %dma_start3A_95] : memref<10000x128xf32, #tpu.memory_space<hbm>> -> memref<10000x128xf32, #tpu.memory_space<hbm>>
      tpu.enqueue_indirect_dma source(%dma_start3A_96 : memref<10000x128xf32, #tpu.memory_space<hbm>>) target(%arg17 : memref<128x128xf32, #tpu.memory_space<vmem>>) offsets(%dma_start3A_93 : memref<128xi32, #tpu.memory_space<vmem>>) semaphore(%arg26 : memref<!tpu.dma_semaphore, #tpu.memory_space<semaphore_mem>>)
    } else {
    }
    %while3A = arith.constant 0 : i32
    %while3A_58 = arith.constant 0 : i32
    %while3A_59 = arith.subi %select_n3A, %while3A : i32
    %while3A_60 = arith.addi %while3A, %while3A_59 : i32
    %while3A_61 = arith.constant 1 : i32
    %while3A_62 = arith.divsi %while3A_59, %while3A_61 : i32
    %while3A_63 = arith.muli %while3A_62, %while3A_61 : i32
    %while3A_64 = arith.addi %while3A, %while3A_63 : i32
    %while3A_65 = arith.constant 1 : i32
    %while3A_66 = scf.for %while3A_82 = %while3A to %while3A_64 step %while3A_65 iter_args(%while3A_83 = %while3A_58) -> (i32)  : i32 {
      %mul3A_84 = arith.constant 3 : i32
      %mul3A_85 = arith.muli %mul3A_84, %while3A_82 : i32
      %dma_wait3A_86 = arith.constant 0 : i32
      %dma_wait3A_87 = arith.constant 0 : i32
      %dma_wait3A_88 = tpu.memref_slice %arg6[%dma_wait3A_86, %dma_wait3A_87] : memref<10000x128xf32, #tpu.memory_space<hbm>> -> memref<128x128xf32, #tpu.memory_space<hbm>>
      %dma_wait3A_89 = arith.constant 0 : i32
      %dma_wait3A_90 = arith.constant 0 : i32
      %dma_wait3A_91 = tpu.memref_slice %arg6[%dma_wait3A_89, %dma_wait3A_90] : memref<10000x128xf32, #tpu.memory_space<hbm>> -> memref<128x128xf32, #tpu.memory_space<hbm>>
      tpu.wait_dma2 semaphore(%arg24 : memref<!tpu.dma_semaphore, #tpu.memory_space<semaphore_mem>>) src(%dma_wait3A_91 : memref<128x128xf32, #tpu.memory_space<hbm>>) dst(%arg15 : memref<128x128xf32, #tpu.memory_space<vmem>>)
      %add3A_92 = arith.constant 0 : i32
      %add3A_93 = arith.addi %mul3A_85, %add3A_92 : i32
      %scan3A_94 = arith.constant 0 : i32
      %scan3A_95 = arith.constant 0 : i32
      %scan3A_96 = arith.constant 8 : i32
      %scan3A_97 = arith.addi %scan3A_95, %scan3A_96 : i32
      %scan3A_98 = arith.constant 1 : i32
      %scan3A_99 = scf.for %scan3A_139 = %scan3A_95 to %scan3A_97 step %scan3A_98 iter_args(%scan3A_140 = %scan3A_94) -> (i32)  : i32 {
        %mul3A_141 = arith.constant 128 : i32
        %mul3A_142 = arith.muli %add3A_93, %mul3A_141 : i32
        %mul3A_143 = arith.constant 16 : i32
        %mul3A_144 = arith.muli %scan3A_139, %mul3A_143 : i32
        %add3A_145 = arith.addi %mul3A_142, %mul3A_144 : i32
        %get3A = arith.index_cast %add3A_145 : i32 to index
        %get3A_146 = tpu.vector_load %arg13[%get3A] {strides = array<i32>} : memref<10512xi32, #tpu.memory_space<vmem>>, vector<16xi32>,
        %mul3A_147 = arith.constant 16 : i32
        %mul3A_148 = arith.muli %scan3A_139, %mul3A_147 : i32
        %swap3A = arith.constant 0 : i32
        %swap3A_149 = arith.index_cast %swap3A : i32 to index
        %swap3A_150 = arith.index_cast %mul3A_148 : i32 to index
        %swap3A_151 = tpu.vector_load %arg14[%swap3A_149, %swap3A_150] {strides = array<i32>} : memref<3x128xi32, #tpu.memory_space<vmem>>, vector<16xi32>,
        tpu.vector_store %arg14[%swap3A_149, %swap3A_150], %get3A_146 {strides = array<i32>} : memref<3x128xi32, #tpu.memory_space<vmem>>, vector<16xi32>,
        %scan3A_152 = arith.constant 0 : i32
        scf.yield %scan3A_152 : i32
      }
      %scan3A_100 = arith.constant 8 : i32
      %run_scoped3A = arith.constant 0 : i32
      "tpu.region"() ({
        %run_scoped3A_139 = tpu.sem_alloc : memref<!tpu.dma_semaphore, #tpu.memory_space<semaphore_mem>>
        %dma_start3A_140 = arith.constant 0 : i32
        %dma_start3A_141 = tpu.memref_slice %arg14[%run_scoped3A, %dma_start3A_140] : memref<3x128xi32, #tpu.memory_space<vmem>> -> memref<1x128xi32, #tpu.memory_space<vmem>>
        %dma_start3A_142 = tpu.memref_squeeze %dma_start3A_141 : memref<1x128xi32, #tpu.memory_space<vmem>> -> memref<128xi32, #tpu.memory_space<vmem>>
        %dma_start3A_143 = arith.constant 0 : i32
        %dma_start3A_144 = arith.constant 0 : i32
        %dma_start3A_145 = tpu.memref_slice %arg20[%dma_start3A_143, %dma_start3A_144] : memref<1152x128xf32, #tpu.memory_space<vmem_shared>> -> memref<1152x128xf32, #tpu.memory_space<vmem_shared>>
        tpu.enqueue_indirect_dma source(%arg15 : memref<128x128xf32, #tpu.memory_space<vmem>>) target(%dma_start3A_145 : memref<1152x128xf32, #tpu.memory_space<vmem_shared>>) offsets(%dma_start3A_142 : memref<128xi32, #tpu.memory_space<vmem>>) semaphore(%run_scoped3A_139 : memref<!tpu.dma_semaphore, #tpu.memory_space<semaphore_mem>>) {add = true}
        %dma_wait3A_146 = arith.constant 0 : i32
        %dma_wait3A_147 = tpu.memref_slice %arg14[%run_scoped3A, %dma_wait3A_146] : memref<3x128xi32, #tpu.memory_space<vmem>> -> memref<1x128xi32, #tpu.memory_space<vmem>>
        %dma_wait3A_148 = tpu.memref_squeeze %dma_wait3A_147 : memref<1x128xi32, #tpu.memory_space<vmem>> -> memref<128xi32, #tpu.memory_space<vmem>>
        %dma_wait3A_149 = arith.constant 0 : i32
        %dma_wait3A_150 = arith.constant 0 : i32
        %dma_wait3A_151 = tpu.memref_slice %arg20[%dma_wait3A_149, %dma_wait3A_150] : memref<1152x128xf32, #tpu.memory_space<vmem_shared>> -> memref<1152x128xf32, #tpu.memory_space<vmem_shared>>
        tpu.wait_indirect_dma semaphore(%run_scoped3A_139 : memref<!tpu.dma_semaphore, #tpu.memory_space<semaphore_mem>>) src(%arg15 : memref<128x128xf32, #tpu.memory_space<vmem>>) dst(%dma_wait3A_151 : memref<1152x128xf32, #tpu.memory_space<vmem_shared>>)
        tpu.yield
      }) : () -> ()
      %dma_wait3A_101 = arith.constant 0 : i32
      %dma_wait3A_102 = arith.constant 0 : i32
      %dma_wait3A_103 = tpu.memref_slice %arg6[%dma_wait3A_101, %dma_wait3A_102] : memref<10000x128xf32, #tpu.memory_space<hbm>> -> memref<128x128xf32, #tpu.memory_space<hbm>>
      %dma_wait3A_104 = arith.constant 0 : i32
      %dma_wait3A_105 = arith.constant 0 : i32
      %dma_wait3A_106 = tpu.memref_slice %arg6[%dma_wait3A_104, %dma_wait3A_105] : memref<10000x128xf32, #tpu.memory_space<hbm>> -> memref<128x128xf32, #tpu.memory_space<hbm>>
      tpu.wait_dma2 semaphore(%arg25 : memref<!tpu.dma_semaphore, #tpu.memory_space<semaphore_mem>>) src(%dma_wait3A_106 : memref<128x128xf32, #tpu.memory_space<hbm>>) dst(%arg16 : memref<128x128xf32, #tpu.memory_space<vmem>>)
      %add3A_107 = arith.constant 1 : i32
      %add3A_108 = arith.addi %mul3A_85, %add3A_107 : i32
      %scan3A_109 = arith.constant 0 : i32
      %scan3A_110 = arith.constant 0 : i32
      %scan3A_111 = arith.constant 8 : i32
      %scan3A_112 = arith.addi %scan3A_110, %scan3A_111 : i32
      %scan3A_113 = arith.constant 1 : i32
      %scan3A_114 = scf.for %scan3A_139 = %scan3A_110 to %scan3A_112 step %scan3A_113 iter_args(%scan3A_140 = %scan3A_109) -> (i32)  : i32 {
        %mul3A_141 = arith.constant 128 : i32
        %mul3A_142 = arith.muli %add3A_108, %mul3A_141 : i32
        %mul3A_143 = arith.constant 16 : i32
        %mul3A_144 = arith.muli %scan3A_139, %mul3A_143 : i32
        %add3A_145 = arith.addi %mul3A_142, %mul3A_144 : i32
        %get3A = arith.index_cast %add3A_145 : i32 to index
        %get3A_146 = tpu.vector_load %arg13[%get3A] {strides = array<i32>} : memref<10512xi32, #tpu.memory_space<vmem>>, vector<16xi32>,
        %mul3A_147 = arith.constant 16 : i32
        %mul3A_148 = arith.muli %scan3A_139, %mul3A_147 : i32
        %swap3A = arith.constant 1 : i32
        %swap3A_149 = arith.index_cast %swap3A : i32 to index
        %swap3A_150 = arith.index_cast %mul3A_148 : i32 to index
        %swap3A_151 = tpu.vector_load %arg14[%swap3A_149, %swap3A_150] {strides = array<i32>} : memref<3x128xi32, #tpu.memory_space<vmem>>, vector<16xi32>,
        tpu.vector_store %arg14[%swap3A_149, %swap3A_150], %get3A_146 {strides = array<i32>} : memref<3x128xi32, #tpu.memory_space<vmem>>, vector<16xi32>,
        %scan3A_152 = arith.constant 0 : i32
        scf.yield %scan3A_152 : i32
      }
      %scan3A_115 = arith.constant 8 : i32
      %run_scoped3A_116 = arith.constant 1 : i32
      "tpu.region"() ({
        %run_scoped3A_139 = tpu.sem_alloc : memref<!tpu.dma_semaphore, #tpu.memory_space<semaphore_mem>>
        %dma_start3A_140 = arith.constant 0 : i32
        %dma_start3A_141 = tpu.memref_slice %arg14[%run_scoped3A_116, %dma_start3A_140] : memref<3x128xi32, #tpu.memory_space<vmem>> -> memref<1x128xi32, #tpu.memory_space<vmem>>
        %dma_start3A_142 = tpu.memref_squeeze %dma_start3A_141 : memref<1x128xi32, #tpu.memory_space<vmem>> -> memref<128xi32, #tpu.memory_space<vmem>>
        %dma_start3A_143 = arith.constant 0 : i32
        %dma_start3A_144 = arith.constant 0 : i32
        %dma_start3A_145 = tpu.memref_slice %arg20[%dma_start3A_143, %dma_start3A_144] : memref<1152x128xf32, #tpu.memory_space<vmem_shared>> -> memref<1152x128xf32, #tpu.memory_space<vmem_shared>>
        tpu.enqueue_indirect_dma source(%arg16 : memref<128x128xf32, #tpu.memory_space<vmem>>) target(%dma_start3A_145 : memref<1152x128xf32, #tpu.memory_space<vmem_shared>>) offsets(%dma_start3A_142 : memref<128xi32, #tpu.memory_space<vmem>>) semaphore(%run_scoped3A_139 : memref<!tpu.dma_semaphore, #tpu.memory_space<semaphore_mem>>) {add = true}
        %dma_wait3A_146 = arith.constant 0 : i32
        %dma_wait3A_147 = tpu.memref_slice %arg14[%run_scoped3A_116, %dma_wait3A_146] : memref<3x128xi32, #tpu.memory_space<vmem>> -> memref<1x128xi32, #tpu.memory_space<vmem>>
        %dma_wait3A_148 = tpu.memref_squeeze %dma_wait3A_147 : memref<1x128xi32, #tpu.memory_space<vmem>> -> memref<128xi32, #tpu.memory_space<vmem>>
        %dma_wait3A_149 = arith.constant 0 : i32
        %dma_wait3A_150 = arith.constant 0 : i32
        %dma_wait3A_151 = tpu.memref_slice %arg20[%dma_wait3A_149, %dma_wait3A_150] : memref<1152x128xf32, #tpu.memory_space<vmem_shared>> -> memref<1152x128xf32, #tpu.memory_space<vmem_shared>>
        tpu.wait_indirect_dma semaphore(%run_scoped3A_139 : memref<!tpu.dma_semaphore, #tpu.memory_space<semaphore_mem>>) src(%arg16 : memref<128x128xf32, #tpu.memory_space<vmem>>) dst(%dma_wait3A_151 : memref<1152x128xf32, #tpu.memory_space<vmem_shared>>)
        tpu.yield
      }) : () -> ()
      %dma_wait3A_117 = arith.constant 0 : i32
      %dma_wait3A_118 = arith.constant 0 : i32
      %dma_wait3A_119 = tpu.memref_slice %arg6[%dma_wait3A_117, %dma_wait3A_118] : memref<10000x128xf32, #tpu.memory_space<hbm>> -> memref<128x128xf32, #tpu.memory_space<hbm>>
      %dma_wait3A_120 = arith.constant 0 : i32
      %dma_wait3A_121 = arith.constant 0 : i32
      %dma_wait3A_122 = tpu.memref_slice %arg6[%dma_wait3A_120, %dma_wait3A_121] : memref<10000x128xf32, #tpu.memory_space<hbm>> -> memref<128x128xf32, #tpu.memory_space<hbm>>
      tpu.wait_dma2 semaphore(%arg26 : memref<!tpu.dma_semaphore, #tpu.memory_space<semaphore_mem>>) src(%dma_wait3A_122 : memref<128x128xf32, #tpu.memory_space<hbm>>) dst(%arg17 : memref<128x128xf32, #tpu.memory_space<vmem>>)
      %add3A_123 = arith.constant 2 : i32
      %add3A_124 = arith.addi %mul3A_85, %add3A_123 : i32
      %scan3A_125 = arith.constant 0 : i32
      %scan3A_126 = arith.constant 0 : i32
      %scan3A_127 = arith.constant 8 : i32
      %scan3A_128 = arith.addi %scan3A_126, %scan3A_127 : i32
      %scan3A_129 = arith.constant 1 : i32
      %scan3A_130 = scf.for %scan3A_139 = %scan3A_126 to %scan3A_128 step %scan3A_129 iter_args(%scan3A_140 = %scan3A_125) -> (i32)  : i32 {
        %mul3A_141 = arith.constant 128 : i32
        %mul3A_142 = arith.muli %add3A_124, %mul3A_141 : i32
        %mul3A_143 = arith.constant 16 : i32
        %mul3A_144 = arith.muli %scan3A_139, %mul3A_143 : i32
        %add3A_145 = arith.addi %mul3A_142, %mul3A_144 : i32
        %get3A = arith.index_cast %add3A_145 : i32 to index
        %get3A_146 = tpu.vector_load %arg13[%get3A] {strides = array<i32>} : memref<10512xi32, #tpu.memory_space<vmem>>, vector<16xi32>,
        %mul3A_147 = arith.constant 16 : i32
        %mul3A_148 = arith.muli %scan3A_139, %mul3A_147 : i32
        %swap3A = arith.constant 2 : i32
        %swap3A_149 = arith.index_cast %swap3A : i32 to index
        %swap3A_150 = arith.index_cast %mul3A_148 : i32 to index
        %swap3A_151 = tpu.vector_load %arg14[%swap3A_149, %swap3A_150] {strides = array<i32>} : memref<3x128xi32, #tpu.memory_space<vmem>>, vector<16xi32>,
        tpu.vector_store %arg14[%swap3A_149, %swap3A_150], %get3A_146 {strides = array<i32>} : memref<3x128xi32, #tpu.memory_space<vmem>>, vector<16xi32>,
        %scan3A_152 = arith.constant 0 : i32
        scf.yield %scan3A_152 : i32
      }
      %scan3A_131 = arith.constant 8 : i32
      %run_scoped3A_132 = arith.constant 2 : i32
      "tpu.region"() ({
        %run_scoped3A_139 = tpu.sem_alloc : memref<!tpu.dma_semaphore, #tpu.memory_space<semaphore_mem>>
        %dma_start3A_140 = arith.constant 0 : i32
        %dma_start3A_141 = tpu.memref_slice %arg14[%run_scoped3A_132, %dma_start3A_140] : memref<3x128xi32, #tpu.memory_space<vmem>> -> memref<1x128xi32, #tpu.memory_space<vmem>>
        %dma_start3A_142 = tpu.memref_squeeze %dma_start3A_141 : memref<1x128xi32, #tpu.memory_space<vmem>> -> memref<128xi32, #tpu.memory_space<vmem>>
        %dma_start3A_143 = arith.constant 0 : i32
        %dma_start3A_144 = arith.constant 0 : i32
        %dma_start3A_145 = tpu.memref_slice %arg20[%dma_start3A_143, %dma_start3A_144] : memref<1152x128xf32, #tpu.memory_space<vmem_shared>> -> memref<1152x128xf32, #tpu.memory_space<vmem_shared>>
        tpu.enqueue_indirect_dma source(%arg17 : memref<128x128xf32, #tpu.memory_space<vmem>>) target(%dma_start3A_145 : memref<1152x128xf32, #tpu.memory_space<vmem_shared>>) offsets(%dma_start3A_142 : memref<128xi32, #tpu.memory_space<vmem>>) semaphore(%run_scoped3A_139 : memref<!tpu.dma_semaphore, #tpu.memory_space<semaphore_mem>>) {add = true}
        %dma_wait3A_146 = arith.constant 0 : i32
        %dma_wait3A_147 = tpu.memref_slice %arg14[%run_scoped3A_132, %dma_wait3A_146] : memref<3x128xi32, #tpu.memory_space<vmem>> -> memref<1x128xi32, #tpu.memory_space<vmem>>
        %dma_wait3A_148 = tpu.memref_squeeze %dma_wait3A_147 : memref<1x128xi32, #tpu.memory_space<vmem>> -> memref<128xi32, #tpu.memory_space<vmem>>
        %dma_wait3A_149 = arith.constant 0 : i32
        %dma_wait3A_150 = arith.constant 0 : i32
        %dma_wait3A_151 = tpu.memref_slice %arg20[%dma_wait3A_149, %dma_wait3A_150] : memref<1152x128xf32, #tpu.memory_space<vmem_shared>> -> memref<1152x128xf32, #tpu.memory_space<vmem_shared>>
        tpu.wait_indirect_dma semaphore(%run_scoped3A_139 : memref<!tpu.dma_semaphore, #tpu.memory_space<semaphore_mem>>) src(%arg17 : memref<128x128xf32, #tpu.memory_space<vmem>>) dst(%dma_wait3A_151 : memref<1152x128xf32, #tpu.memory_space<vmem_shared>>)
        tpu.yield
      }) : () -> ()
      %add3A_133 = arith.constant 1 : i32
      %add3A_134 = arith.addi %while3A_82, %add3A_133 : i32
      %lt3A = arith.cmpi slt, %add3A_134, %select_n3A : i32
      %convert_element_type3A_135 = arith.extui %lt3A : i1 to i32
      %cond3A_136 = arith.constant 0 : i32
      %cond3A_137 = arith.cmpi ne, %convert_element_type3A_135, %cond3A_136 : i32
      scf.if %cond3A_137 {
        %add3A_139 = arith.constant 3 : i32
        %add3A_140 = arith.addi %mul3A_85, %add3A_139 : i32
        %add3A_141 = arith.constant 0 : i32
        %add3A_142 = arith.addi %add3A_140, %add3A_141 : i32
        %mul3A_143 = arith.constant 128 : i32
        %mul3A_144 = arith.muli %add3A_142, %mul3A_143 : i32
        %dma_start3A_145 = tpu.memref_slice %arg12[%mul3A_144] : memref<10512xi32, #tpu.memory_space<vmem>> -> memref<128xi32, #tpu.memory_space<vmem>>
        %dma_start3A_146 = arith.constant 0 : i32
        %dma_start3A_147 = arith.constant 0 : i32
        %dma_start3A_148 = tpu.memref_slice %arg6[%dma_start3A_146, %dma_start3A_147] : memref<10000x128xf32, #tpu.memory_space<hbm>> -> memref<10000x128xf32, #tpu.memory_space<hbm>>
        tpu.enqueue_indirect_dma source(%dma_start3A_148 : memref<10000x128xf32, #tpu.memory_space<hbm>>) target(%arg15 : memref<128x128xf32, #tpu.memory_space<vmem>>) offsets(%dma_start3A_145 : memref<128xi32, #tpu.memory_space<vmem>>) semaphore(%arg24 : memref<!tpu.dma_semaphore, #tpu.memory_space<semaphore_mem>>)
        %add3A_149 = arith.constant 3 : i32
        %add3A_150 = arith.addi %mul3A_85, %add3A_149 : i32
        %add3A_151 = arith.constant 1 : i32
        %add3A_152 = arith.addi %add3A_150, %add3A_151 : i32
        %mul3A_153 = arith.constant 128 : i32
        %mul3A_154 = arith.muli %add3A_152, %mul3A_153 : i32
        %dma_start3A_155 = tpu.memref_slice %arg12[%mul3A_154] : memref<10512xi32, #tpu.memory_space<vmem>> -> memref<128xi32, #tpu.memory_space<vmem>>
        %dma_start3A_156 = arith.constant 0 : i32
        %dma_start3A_157 = arith.constant 0 : i32
        %dma_start3A_158 = tpu.memref_slice %arg6[%dma_start3A_156, %dma_start3A_157] : memref<10000x128xf32, #tpu.memory_space<hbm>> -> memref<10000x128xf32, #tpu.memory_space<hbm>>
        tpu.enqueue_indirect_dma source(%dma_start3A_158 : memref<10000x128xf32, #tpu.memory_space<hbm>>) target(%arg16 : memref<128x128xf32, #tpu.memory_space<vmem>>) offsets(%dma_start3A_155 : memref<128xi32, #tpu.memory_space<vmem>>) semaphore(%arg25 : memref<!tpu.dma_semaphore, #tpu.memory_space<semaphore_mem>>)
        %add3A_159 = arith.constant 3 : i32
        %add3A_160 = arith.addi %mul3A_85, %add3A_159 : i32
        %add3A_161 = arith.constant 2 : i32
        %add3A_162 = arith.addi %add3A_160, %add3A_161 : i32
        %mul3A_163 = arith.constant 128 : i32
        %mul3A_164 = arith.muli %add3A_162, %mul3A_163 : i32
        %dma_start3A_165 = tpu.memref_slice %arg12[%mul3A_164] : memref<10512xi32, #tpu.memory_space<vmem>> -> memref<128xi32, #tpu.memory_space<vmem>>
        %dma_start3A_166 = arith.constant 0 : i32
        %dma_start3A_167 = arith.constant 0 : i32
        %dma_start3A_168 = tpu.memref_slice %arg6[%dma_start3A_166, %dma_start3A_167] : memref<10000x128xf32, #tpu.memory_space<hbm>> -> memref<10000x128xf32, #tpu.memory_space<hbm>>
        tpu.enqueue_indirect_dma source(%dma_start3A_168 : memref<10000x128xf32, #tpu.memory_space<hbm>>) target(%arg17 : memref<128x128xf32, #tpu.memory_space<vmem>>) offsets(%dma_start3A_165 : memref<128xi32, #tpu.memory_space<vmem>>) semaphore(%arg26 : memref<!tpu.dma_semaphore, #tpu.memory_space<semaphore_mem>>)
      } else {
      }
      %while3A_138 = arith.constant 0 : i32
      scf.yield %while3A_138 : i32
    }
    %while3A_67 = arith.constant 1 : i32
    %while3A_68 = scf.for %while3A_82 = %while3A_64 to %while3A_60 step %while3A_67 iter_args(%while3A_83 = %while3A_66) -> (i32)  : i32 {
      %mul3A_84 = arith.constant 3 : i32
      %mul3A_85 = arith.muli %mul3A_84, %while3A_82 : i32
      %dma_wait3A_86 = arith.constant 0 : i32
      %dma_wait3A_87 = arith.constant 0 : i32
      %dma_wait3A_88 = tpu.memref_slice %arg6[%dma_wait3A_86, %dma_wait3A_87] : memref<10000x128xf32, #tpu.memory_space<hbm>> -> memref<128x128xf32, #tpu.memory_space<hbm>>
      %dma_wait3A_89 = arith.constant 0 : i32
      %dma_wait3A_90 = arith.constant 0 : i32
      %dma_wait3A_91 = tpu.memref_slice %arg6[%dma_wait3A_89, %dma_wait3A_90] : memref<10000x128xf32, #tpu.memory_space<hbm>> -> memref<128x128xf32, #tpu.memory_space<hbm>>
      tpu.wait_dma2 semaphore(%arg24 : memref<!tpu.dma_semaphore, #tpu.memory_space<semaphore_mem>>) src(%dma_wait3A_91 : memref<128x128xf32, #tpu.memory_space<hbm>>) dst(%arg15 : memref<128x128xf32, #tpu.memory_space<vmem>>)
      %add3A_92 = arith.constant 0 : i32
      %add3A_93 = arith.addi %mul3A_85, %add3A_92 : i32
      %scan3A_94 = arith.constant 0 : i32
      %scan3A_95 = arith.constant 0 : i32
      %scan3A_96 = arith.constant 8 : i32
      %scan3A_97 = arith.addi %scan3A_95, %scan3A_96 : i32
      %scan3A_98 = arith.constant 1 : i32
      %scan3A_99 = scf.for %scan3A_139 = %scan3A_95 to %scan3A_97 step %scan3A_98 iter_args(%scan3A_140 = %scan3A_94) -> (i32)  : i32 {
        %mul3A_141 = arith.constant 128 : i32
        %mul3A_142 = arith.muli %add3A_93, %mul3A_141 : i32
        %mul3A_143 = arith.constant 16 : i32
        %mul3A_144 = arith.muli %scan3A_139, %mul3A_143 : i32
        %add3A_145 = arith.addi %mul3A_142, %mul3A_144 : i32
        %get3A = arith.index_cast %add3A_145 : i32 to index
        %get3A_146 = tpu.vector_load %arg13[%get3A] {strides = array<i32>} : memref<10512xi32, #tpu.memory_space<vmem>>, vector<16xi32>,
        %mul3A_147 = arith.constant 16 : i32
        %mul3A_148 = arith.muli %scan3A_139, %mul3A_147 : i32
        %swap3A = arith.constant 0 : i32
        %swap3A_149 = arith.index_cast %swap3A : i32 to index
        %swap3A_150 = arith.index_cast %mul3A_148 : i32 to index
        %swap3A_151 = tpu.vector_load %arg14[%swap3A_149, %swap3A_150] {strides = array<i32>} : memref<3x128xi32, #tpu.memory_space<vmem>>, vector<16xi32>,
        tpu.vector_store %arg14[%swap3A_149, %swap3A_150], %get3A_146 {strides = array<i32>} : memref<3x128xi32, #tpu.memory_space<vmem>>, vector<16xi32>,
        %scan3A_152 = arith.constant 0 : i32
        scf.yield %scan3A_152 : i32
      }
      %scan3A_100 = arith.constant 8 : i32
      %run_scoped3A = arith.constant 0 : i32
      "tpu.region"() ({
        %run_scoped3A_139 = tpu.sem_alloc : memref<!tpu.dma_semaphore, #tpu.memory_space<semaphore_mem>>
        %dma_start3A_140 = arith.constant 0 : i32
        %dma_start3A_141 = tpu.memref_slice %arg14[%run_scoped3A, %dma_start3A_140] : memref<3x128xi32, #tpu.memory_space<vmem>> -> memref<1x128xi32, #tpu.memory_space<vmem>>
        %dma_start3A_142 = tpu.memref_squeeze %dma_start3A_141 : memref<1x128xi32, #tpu.memory_space<vmem>> -> memref<128xi32, #tpu.memory_space<vmem>>
        %dma_start3A_143 = arith.constant 0 : i32
        %dma_start3A_144 = arith.constant 0 : i32
        %dma_start3A_145 = tpu.memref_slice %arg20[%dma_start3A_143, %dma_start3A_144] : memref<1152x128xf32, #tpu.memory_space<vmem_shared>> -> memref<1152x128xf32, #tpu.memory_space<vmem_shared>>
        tpu.enqueue_indirect_dma source(%arg15 : memref<128x128xf32, #tpu.memory_space<vmem>>) target(%dma_start3A_145 : memref<1152x128xf32, #tpu.memory_space<vmem_shared>>) offsets(%dma_start3A_142 : memref<128xi32, #tpu.memory_space<vmem>>) semaphore(%run_scoped3A_139 : memref<!tpu.dma_semaphore, #tpu.memory_space<semaphore_mem>>) {add = true}
        %dma_wait3A_146 = arith.constant 0 : i32
        %dma_wait3A_147 = tpu.memref_slice %arg14[%run_scoped3A, %dma_wait3A_146] : memref<3x128xi32, #tpu.memory_space<vmem>> -> memref<1x128xi32, #tpu.memory_space<vmem>>
        %dma_wait3A_148 = tpu.memref_squeeze %dma_wait3A_147 : memref<1x128xi32, #tpu.memory_space<vmem>> -> memref<128xi32, #tpu.memory_space<vmem>>
        %dma_wait3A_149 = arith.constant 0 : i32
        %dma_wait3A_150 = arith.constant 0 : i32
        %dma_wait3A_151 = tpu.memref_slice %arg20[%dma_wait3A_149, %dma_wait3A_150] : memref<1152x128xf32, #tpu.memory_space<vmem_shared>> -> memref<1152x128xf32, #tpu.memory_space<vmem_shared>>
        tpu.wait_indirect_dma semaphore(%run_scoped3A_139 : memref<!tpu.dma_semaphore, #tpu.memory_space<semaphore_mem>>) src(%arg15 : memref<128x128xf32, #tpu.memory_space<vmem>>) dst(%dma_wait3A_151 : memref<1152x128xf32, #tpu.memory_space<vmem_shared>>)
        tpu.yield
      }) : () -> ()
      %dma_wait3A_101 = arith.constant 0 : i32
      %dma_wait3A_102 = arith.constant 0 : i32
      %dma_wait3A_103 = tpu.memref_slice %arg6[%dma_wait3A_101, %dma_wait3A_102] : memref<10000x128xf32, #tpu.memory_space<hbm>> -> memref<128x128xf32, #tpu.memory_space<hbm>>
      %dma_wait3A_104 = arith.constant 0 : i32
      %dma_wait3A_105 = arith.constant 0 : i32
      %dma_wait3A_106 = tpu.memref_slice %arg6[%dma_wait3A_104, %dma_wait3A_105] : memref<10000x128xf32, #tpu.memory_space<hbm>> -> memref<128x128xf32, #tpu.memory_space<hbm>>
      tpu.wait_dma2 semaphore(%arg25 : memref<!tpu.dma_semaphore, #tpu.memory_space<semaphore_mem>>) src(%dma_wait3A_106 : memref<128x128xf32, #tpu.memory_space<hbm>>) dst(%arg16 : memref<128x128xf32, #tpu.memory_space<vmem>>)
      %add3A_107 = arith.constant 1 : i32
      %add3A_108 = arith.addi %mul3A_85, %add3A_107 : i32
      %scan3A_109 = arith.constant 0 : i32
      %scan3A_110 = arith.constant 0 : i32
      %scan3A_111 = arith.constant 8 : i32
      %scan3A_112 = arith.addi %scan3A_110, %scan3A_111 : i32
      %scan3A_113 = arith.constant 1 : i32
      %scan3A_114 = scf.for %scan3A_139 = %scan3A_110 to %scan3A_112 step %scan3A_113 iter_args(%scan3A_140 = %scan3A_109) -> (i32)  : i32 {
        %mul3A_141 = arith.constant 128 : i32
        %mul3A_142 = arith.muli %add3A_108, %mul3A_141 : i32
        %mul3A_143 = arith.constant 16 : i32
        %mul3A_144 = arith.muli %scan3A_139, %mul3A_143 : i32
        %add3A_145 = arith.addi %mul3A_142, %mul3A_144 : i32
        %get3A = arith.index_cast %add3A_145 : i32 to index
        %get3A_146 = tpu.vector_load %arg13[%get3A] {strides = array<i32>} : memref<10512xi32, #tpu.memory_space<vmem>>, vector<16xi32>,
        %mul3A_147 = arith.constant 16 : i32
        %mul3A_148 = arith.muli %scan3A_139, %mul3A_147 : i32
        %swap3A = arith.constant 1 : i32
        %swap3A_149 = arith.index_cast %swap3A : i32 to index
        %swap3A_150 = arith.index_cast %mul3A_148 : i32 to index
        %swap3A_151 = tpu.vector_load %arg14[%swap3A_149, %swap3A_150] {strides = array<i32>} : memref<3x128xi32, #tpu.memory_space<vmem>>, vector<16xi32>,
        tpu.vector_store %arg14[%swap3A_149, %swap3A_150], %get3A_146 {strides = array<i32>} : memref<3x128xi32, #tpu.memory_space<vmem>>, vector<16xi32>,
        %scan3A_152 = arith.constant 0 : i32
        scf.yield %scan3A_152 : i32
      }
      %scan3A_115 = arith.constant 8 : i32
      %run_scoped3A_116 = arith.constant 1 : i32
      "tpu.region"() ({
        %run_scoped3A_139 = tpu.sem_alloc : memref<!tpu.dma_semaphore, #tpu.memory_space<semaphore_mem>>
        %dma_start3A_140 = arith.constant 0 : i32
        %dma_start3A_141 = tpu.memref_slice %arg14[%run_scoped3A_116, %dma_start3A_140] : memref<3x128xi32, #tpu.memory_space<vmem>> -> memref<1x128xi32, #tpu.memory_space<vmem>>
        %dma_start3A_142 = tpu.memref_squeeze %dma_start3A_141 : memref<1x128xi32, #tpu.memory_space<vmem>> -> memref<128xi32, #tpu.memory_space<vmem>>
        %dma_start3A_143 = arith.constant 0 : i32
        %dma_start3A_144 = arith.constant 0 : i32
        %dma_start3A_145 = tpu.memref_slice %arg20[%dma_start3A_143, %dma_start3A_144] : memref<1152x128xf32, #tpu.memory_space<vmem_shared>> -> memref<1152x128xf32, #tpu.memory_space<vmem_shared>>
        tpu.enqueue_indirect_dma source(%arg16 : memref<128x128xf32, #tpu.memory_space<vmem>>) target(%dma_start3A_145 : memref<1152x128xf32, #tpu.memory_space<vmem_shared>>) offsets(%dma_start3A_142 : memref<128xi32, #tpu.memory_space<vmem>>) semaphore(%run_scoped3A_139 : memref<!tpu.dma_semaphore, #tpu.memory_space<semaphore_mem>>) {add = true}
        %dma_wait3A_146 = arith.constant 0 : i32
        %dma_wait3A_147 = tpu.memref_slice %arg14[%run_scoped3A_116, %dma_wait3A_146] : memref<3x128xi32, #tpu.memory_space<vmem>> -> memref<1x128xi32, #tpu.memory_space<vmem>>
        %dma_wait3A_148 = tpu.memref_squeeze %dma_wait3A_147 : memref<1x128xi32, #tpu.memory_space<vmem>> -> memref<128xi32, #tpu.memory_space<vmem>>
        %dma_wait3A_149 = arith.constant 0 : i32
        %dma_wait3A_150 = arith.constant 0 : i32
        %dma_wait3A_151 = tpu.memref_slice %arg20[%dma_wait3A_149, %dma_wait3A_150] : memref<1152x128xf32, #tpu.memory_space<vmem_shared>> -> memref<1152x128xf32, #tpu.memory_space<vmem_shared>>
        tpu.wait_indirect_dma semaphore(%run_scoped3A_139 : memref<!tpu.dma_semaphore, #tpu.memory_space<semaphore_mem>>) src(%arg16 : memref<128x128xf32, #tpu.memory_space<vmem>>) dst(%dma_wait3A_151 : memref<1152x128xf32, #tpu.memory_space<vmem_shared>>)
        tpu.yield
      }) : () -> ()
      %dma_wait3A_117 = arith.constant 0 : i32
      %dma_wait3A_118 = arith.constant 0 : i32
      %dma_wait3A_119 = tpu.memref_slice %arg6[%dma_wait3A_117, %dma_wait3A_118] : memref<10000x128xf32, #tpu.memory_space<hbm>> -> memref<128x128xf32, #tpu.memory_space<hbm>>
      %dma_wait3A_120 = arith.constant 0 : i32
      %dma_wait3A_121 = arith.constant 0 : i32
      %dma_wait3A_122 = tpu.memref_slice %arg6[%dma_wait3A_120, %dma_wait3A_121] : memref<10000x128xf32, #tpu.memory_space<hbm>> -> memref<128x128xf32, #tpu.memory_space<hbm>>
      tpu.wait_dma2 semaphore(%arg26 : memref<!tpu.dma_semaphore, #tpu.memory_space<semaphore_mem>>) src(%dma_wait3A_122 : memref<128x128xf32, #tpu.memory_space<hbm>>) dst(%arg17 : memref<128x128xf32, #tpu.memory_space<vmem>>)
      %add3A_123 = arith.constant 2 : i32
      %add3A_124 = arith.addi %mul3A_85, %add3A_123 : i32
      %scan3A_125 = arith.constant 0 : i32
      %scan3A_126 = arith.constant 0 : i32
      %scan3A_127 = arith.constant 8 : i32
      %scan3A_128 = arith.addi %scan3A_126, %scan3A_127 : i32
      %scan3A_129 = arith.constant 1 : i32
      %scan3A_130 = scf.for %scan3A_139 = %scan3A_126 to %scan3A_128 step %scan3A_129 iter_args(%scan3A_140 = %scan3A_125) -> (i32)  : i32 {
        %mul3A_141 = arith.constant 128 : i32
        %mul3A_142 = arith.muli %add3A_124, %mul3A_141 : i32
        %mul3A_143 = arith.constant 16 : i32
        %mul3A_144 = arith.muli %scan3A_139, %mul3A_143 : i32
        %add3A_145 = arith.addi %mul3A_142, %mul3A_144 : i32
        %get3A = arith.index_cast %add3A_145 : i32 to index
        %get3A_146 = tpu.vector_load %arg13[%get3A] {strides = array<i32>} : memref<10512xi32, #tpu.memory_space<vmem>>, vector<16xi32>,
        %mul3A_147 = arith.constant 16 : i32
        %mul3A_148 = arith.muli %scan3A_139, %mul3A_147 : i32
        %swap3A = arith.constant 2 : i32
        %swap3A_149 = arith.index_cast %swap3A : i32 to index
        %swap3A_150 = arith.index_cast %mul3A_148 : i32 to index
        %swap3A_151 = tpu.vector_load %arg14[%swap3A_149, %swap3A_150] {strides = array<i32>} : memref<3x128xi32, #tpu.memory_space<vmem>>, vector<16xi32>,
        tpu.vector_store %arg14[%swap3A_149, %swap3A_150], %get3A_146 {strides = array<i32>} : memref<3x128xi32, #tpu.memory_space<vmem>>, vector<16xi32>,
        %scan3A_152 = arith.constant 0 : i32
        scf.yield %scan3A_152 : i32
      }
      %scan3A_131 = arith.constant 8 : i32
      %run_scoped3A_132 = arith.constant 2 : i32
      "tpu.region"() ({
        %run_scoped3A_139 = tpu.sem_alloc : memref<!tpu.dma_semaphore, #tpu.memory_space<semaphore_mem>>
        %dma_start3A_140 = arith.constant 0 : i32
        %dma_start3A_141 = tpu.memref_slice %arg14[%run_scoped3A_132, %dma_start3A_140] : memref<3x128xi32, #tpu.memory_space<vmem>> -> memref<1x128xi32, #tpu.memory_space<vmem>>
        %dma_start3A_142 = tpu.memref_squeeze %dma_start3A_141 : memref<1x128xi32, #tpu.memory_space<vmem>> -> memref<128xi32, #tpu.memory_space<vmem>>
        %dma_start3A_143 = arith.constant 0 : i32
        %dma_start3A_144 = arith.constant 0 : i32
        %dma_start3A_145 = tpu.memref_slice %arg20[%dma_start3A_143, %dma_start3A_144] : memref<1152x128xf32, #tpu.memory_space<vmem_shared>> -> memref<1152x128xf32, #tpu.memory_space<vmem_shared>>
        tpu.enqueue_indirect_dma source(%arg17 : memref<128x128xf32, #tpu.memory_space<vmem>>) target(%dma_start3A_145 : memref<1152x128xf32, #tpu.memory_space<vmem_shared>>) offsets(%dma_start3A_142 : memref<128xi32, #tpu.memory_space<vmem>>) semaphore(%run_scoped3A_139 : memref<!tpu.dma_semaphore, #tpu.memory_space<semaphore_mem>>) {add = true}
        %dma_wait3A_146 = arith.constant 0 : i32
        %dma_wait3A_147 = tpu.memref_slice %arg14[%run_scoped3A_132, %dma_wait3A_146] : memref<3x128xi32, #tpu.memory_space<vmem>> -> memref<1x128xi32, #tpu.memory_space<vmem>>
        %dma_wait3A_148 = tpu.memref_squeeze %dma_wait3A_147 : memref<1x128xi32, #tpu.memory_space<vmem>> -> memref<128xi32, #tpu.memory_space<vmem>>
        %dma_wait3A_149 = arith.constant 0 : i32
        %dma_wait3A_150 = arith.constant 0 : i32
        %dma_wait3A_151 = tpu.memref_slice %arg20[%dma_wait3A_149, %dma_wait3A_150] : memref<1152x128xf32, #tpu.memory_space<vmem_shared>> -> memref<1152x128xf32, #tpu.memory_space<vmem_shared>>
        tpu.wait_indirect_dma semaphore(%run_scoped3A_139 : memref<!tpu.dma_semaphore, #tpu.memory_space<semaphore_mem>>) src(%arg17 : memref<128x128xf32, #tpu.memory_space<vmem>>) dst(%dma_wait3A_151 : memref<1152x128xf32, #tpu.memory_space<vmem_shared>>)
        tpu.yield
      }) : () -> ()
      %add3A_133 = arith.constant 1 : i32
      %add3A_134 = arith.addi %while3A_82, %add3A_133 : i32
      %lt3A = arith.cmpi slt, %add3A_134, %select_n3A : i32
      %convert_element_type3A_135 = arith.extui %lt3A : i1 to i32
      %cond3A_136 = arith.constant 0 : i32
      %cond3A_137 = arith.cmpi ne, %convert_element_type3A_135, %cond3A_136 : i32
      scf.if %cond3A_137 {
        %add3A_139 = arith.constant 3 : i32
        %add3A_140 = arith.addi %mul3A_85, %add3A_139 : i32
        %add3A_141 = arith.constant 0 : i32
        %add3A_142 = arith.addi %add3A_140, %add3A_141 : i32
        %mul3A_143 = arith.constant 128 : i32
        %mul3A_144 = arith.muli %add3A_142, %mul3A_143 : i32
        %dma_start3A_145 = tpu.memref_slice %arg12[%mul3A_144] : memref<10512xi32, #tpu.memory_space<vmem>> -> memref<128xi32, #tpu.memory_space<vmem>>
        %dma_start3A_146 = arith.constant 0 : i32
        %dma_start3A_147 = arith.constant 0 : i32
        %dma_start3A_148 = tpu.memref_slice %arg6[%dma_start3A_146, %dma_start3A_147] : memref<10000x128xf32, #tpu.memory_space<hbm>> -> memref<10000x128xf32, #tpu.memory_space<hbm>>
        tpu.enqueue_indirect_dma source(%dma_start3A_148 : memref<10000x128xf32, #tpu.memory_space<hbm>>) target(%arg15 : memref<128x128xf32, #tpu.memory_space<vmem>>) offsets(%dma_start3A_145 : memref<128xi32, #tpu.memory_space<vmem>>) semaphore(%arg24 : memref<!tpu.dma_semaphore, #tpu.memory_space<semaphore_mem>>)
        %add3A_149 = arith.constant 3 : i32
        %add3A_150 = arith.addi %mul3A_85, %add3A_149 : i32
        %add3A_151 = arith.constant 1 : i32
        %add3A_152 = arith.addi %add3A_150, %add3A_151 : i32
        %mul3A_153 = arith.constant 128 : i32
        %mul3A_154 = arith.muli %add3A_152, %mul3A_153 : i32
        %dma_start3A_155 = tpu.memref_slice %arg12[%mul3A_154] : memref<10512xi32, #tpu.memory_space<vmem>> -> memref<128xi32, #tpu.memory_space<vmem>>
        %dma_start3A_156 = arith.constant 0 : i32
        %dma_start3A_157 = arith.constant 0 : i32
        %dma_start3A_158 = tpu.memref_slice %arg6[%dma_start3A_156, %dma_start3A_157] : memref<10000x128xf32, #tpu.memory_space<hbm>> -> memref<10000x128xf32, #tpu.memory_space<hbm>>
        tpu.enqueue_indirect_dma source(%dma_start3A_158 : memref<10000x128xf32, #tpu.memory_space<hbm>>) target(%arg16 : memref<128x128xf32, #tpu.memory_space<vmem>>) offsets(%dma_start3A_155 : memref<128xi32, #tpu.memory_space<vmem>>) semaphore(%arg25 : memref<!tpu.dma_semaphore, #tpu.memory_space<semaphore_mem>>)
        %add3A_159 = arith.constant 3 : i32
        %add3A_160 = arith.addi %mul3A_85, %add3A_159 : i32
        %add3A_161 = arith.constant 2 : i32
        %add3A_162 = arith.addi %add3A_160, %add3A_161 : i32
        %mul3A_163 = arith.constant 128 : i32
        %mul3A_164 = arith.muli %add3A_162, %mul3A_163 : i32
        %dma_start3A_165 = tpu.memref_slice %arg12[%mul3A_164] : memref<10512xi32, #tpu.memory_space<vmem>> -> memref<128xi32, #tpu.memory_space<vmem>>
        %dma_start3A_166 = arith.constant 0 : i32
        %dma_start3A_167 = arith.constant 0 : i32
        %dma_start3A_168 = tpu.memref_slice %arg6[%dma_start3A_166, %dma_start3A_167] : memref<10000x128xf32, #tpu.memory_space<hbm>> -> memref<10000x128xf32, #tpu.memory_space<hbm>>
        tpu.enqueue_indirect_dma source(%dma_start3A_168 : memref<10000x128xf32, #tpu.memory_space<hbm>>) target(%arg17 : memref<128x128xf32, #tpu.memory_space<vmem>>) offsets(%dma_start3A_165 : memref<128xi32, #tpu.memory_space<vmem>>) semaphore(%arg26 : memref<!tpu.dma_semaphore, #tpu.memory_space<semaphore_mem>>)
      } else {
      }
      %while3A_138 = arith.constant 0 : i32
      scf.yield %while3A_138 : i32
    }
    %mul3A_69 = arith.constant 32 : i32
    %mul3A_70 = arith.muli %add3A, %mul3A_69 : i32
    "tpu.region"() ({
      %run_scoped3A = tpu.sem_alloc : memref<!tpu.dma_semaphore, #tpu.memory_space<semaphore_mem>>
      %dma_start3A_82 = tpu.memref_slice %arg5[%mul3A_70] : memref<1024xi32, #tpu.memory_space<hbm>> -> memref<32xi32, #tpu.memory_space<hbm>>
      %dma_start3A_83 = tpu.memref_slice %arg5[%mul3A_70] : memref<1024xi32, #tpu.memory_space<hbm>> -> memref<32xi32, #tpu.memory_space<hbm>>
      tpu.enqueue_dma source(%dma_start3A_83 : memref<32xi32, #tpu.memory_space<hbm>>) target(%arg18 : memref<32xi32, #tpu.memory_space<vmem>>) target_semaphore(%run_scoped3A : memref<!tpu.dma_semaphore, #tpu.memory_space<semaphore_mem>>)
      %dma_wait3A_84 = tpu.memref_slice %arg5[%mul3A_70] : memref<1024xi32, #tpu.memory_space<hbm>> -> memref<32xi32, #tpu.memory_space<hbm>>
      %dma_wait3A_85 = tpu.memref_slice %arg5[%mul3A_70] : memref<1024xi32, #tpu.memory_space<hbm>> -> memref<32xi32, #tpu.memory_space<hbm>>
      tpu.wait_dma2 semaphore(%run_scoped3A : memref<!tpu.dma_semaphore, #tpu.memory_space<semaphore_mem>>) src(%dma_wait3A_85 : memref<32xi32, #tpu.memory_space<hbm>>) dst(%arg18 : memref<32xi32, #tpu.memory_space<vmem>>)
      tpu.yield
    }) : () -> ()
    %dma_start3A_71 = arith.constant 0 : i32
    %dma_start3A_72 = arith.constant 0 : i32
    %dma_start3A_73 = tpu.memref_slice %arg6[%dma_start3A_71, %dma_start3A_72] : memref<10000x128xf32, #tpu.memory_space<hbm>> -> memref<10000x128xf32, #tpu.memory_space<hbm>>
    tpu.enqueue_indirect_dma source(%dma_start3A_73 : memref<10000x128xf32, #tpu.memory_space<hbm>>) target(%arg19 : memref<32x128xf32, #tpu.memory_space<vmem>>) offsets(%arg18 : memref<32xi32, #tpu.memory_space<vmem>>) semaphore(%arg23 : memref<!tpu.dma_semaphore, #tpu.memory_space<semaphore_mem>>)
    %dma_wait3A_74 = arith.constant 0 : i32
    %dma_wait3A_75 = arith.constant 0 : i32
    %dma_wait3A_76 = tpu.memref_slice %arg6[%dma_wait3A_74, %dma_wait3A_75] : memref<10000x128xf32, #tpu.memory_space<hbm>> -> memref<10000x128xf32, #tpu.memory_space<hbm>>
    tpu.wait_indirect_dma semaphore(%arg23 : memref<!tpu.dma_semaphore, #tpu.memory_space<semaphore_mem>>) src(%dma_wait3A_76 : memref<10000x128xf32, #tpu.memory_space<hbm>>) dst(%arg19 : memref<32x128xf32, #tpu.memory_space<vmem>>)
    "tpu.region"() ({
      %run_scoped3A = tpu.sem_alloc : memref<!tpu.dma_semaphore, #tpu.memory_space<semaphore_mem>>
      %dma_start3A_82 = arith.constant 0 : i32
      %dma_start3A_83 = tpu.memref_slice %arg8[%mul3A_70, %dma_start3A_82] : memref<1024x128xf32, #tpu.memory_space<hbm>> -> memref<32x128xf32, #tpu.memory_space<hbm>>
      %dma_start3A_84 = arith.constant 0 : i32
      %dma_start3A_85 = tpu.memref_slice %arg8[%mul3A_70, %dma_start3A_84] : memref<1024x128xf32, #tpu.memory_space<hbm>> -> memref<32x128xf32, #tpu.memory_space<hbm>>
      tpu.enqueue_dma source(%arg19 : memref<32x128xf32, #tpu.memory_space<vmem>>) target(%dma_start3A_85 : memref<32x128xf32, #tpu.memory_space<hbm>>) target_semaphore(%run_scoped3A : memref<!tpu.dma_semaphore, #tpu.memory_space<semaphore_mem>>)
      %dma_wait3A_86 = arith.constant 0 : i32
      %dma_wait3A_87 = tpu.memref_slice %arg8[%mul3A_70, %dma_wait3A_86] : memref<1024x128xf32, #tpu.memory_space<hbm>> -> memref<32x128xf32, #tpu.memory_space<hbm>>
      %dma_wait3A_88 = arith.constant 0 : i32
      %dma_wait3A_89 = tpu.memref_slice %arg8[%mul3A_70, %dma_wait3A_88] : memref<1024x128xf32, #tpu.memory_space<hbm>> -> memref<32x128xf32, #tpu.memory_space<hbm>>
      tpu.wait_dma2 semaphore(%run_scoped3A : memref<!tpu.dma_semaphore, #tpu.memory_space<semaphore_mem>>) src(%arg19 : memref<32x128xf32, #tpu.memory_space<vmem>>) dst(%dma_wait3A_89 : memref<32x128xf32, #tpu.memory_space<hbm>>)
      tpu.yield
    }) : () -> ()
    %barrier3A_77 = arith.constant 0 : index
    tpu.barrier barrier_id(%barrier3A_77)
    %mul3A_78 = arith.constant 72 : i32
    %mul3A_79 = arith.muli %arg1, %mul3A_78 : i32
    %mul3A_80 = arith.constant 72 : i32
    %mul3A_81 = arith.muli %arg1, %mul3A_80 : i32
    "tpu.region"() ({
      %run_scoped3A = tpu.sem_alloc : memref<!tpu.dma_semaphore, #tpu.memory_space<semaphore_mem>>
      %dma_start3A_82 = arith.constant 0 : i32
      %dma_start3A_83 = tpu.memref_slice %arg7[%arg0, %mul3A_81, %dma_start3A_82] : memref<2x1152x128xf32, #tpu.memory_space<hbm>> -> memref<1x72x128xf32, #tpu.memory_space<hbm>>
      %dma_start3A_84 = tpu.memref_squeeze %dma_start3A_83 : memref<1x72x128xf32, #tpu.memory_space<hbm>> -> memref<72x128xf32, #tpu.memory_space<hbm>>
      %dma_start3A_85 = arith.constant 0 : i32
      %dma_start3A_86 = tpu.memref_slice %arg20[%mul3A_79, %dma_start3A_85] : memref<1152x128xf32, #tpu.memory_space<vmem_shared>> -> memref<72x128xf32, #tpu.memory_space<vmem_shared>>
      tpu.enqueue_dma source(%dma_start3A_86 : memref<72x128xf32, #tpu.memory_space<vmem_shared>>) target(%dma_start3A_84 : memref<72x128xf32, #tpu.memory_space<hbm>>) target_semaphore(%run_scoped3A : memref<!tpu.dma_semaphore, #tpu.memory_space<semaphore_mem>>)
      %dma_wait3A_87 = arith.constant 0 : i32
      %dma_wait3A_88 = tpu.memref_slice %arg7[%arg0, %mul3A_81, %dma_wait3A_87] : memref<2x1152x128xf32, #tpu.memory_space<hbm>> -> memref<1x72x128xf32, #tpu.memory_space<hbm>>
      %dma_wait3A_89 = tpu.memref_squeeze %dma_wait3A_88 : memref<1x72x128xf32, #tpu.memory_space<hbm>> -> memref<72x128xf32, #tpu.memory_space<hbm>>
      %dma_wait3A_90 = arith.constant 0 : i32
      %dma_wait3A_91 = tpu.memref_slice %arg20[%mul3A_79, %dma_wait3A_90] : memref<1152x128xf32, #tpu.memory_space<vmem_shared>> -> memref<72x128xf32, #tpu.memory_space<vmem_shared>>
      tpu.wait_dma2 semaphore(%run_scoped3A : memref<!tpu.dma_semaphore, #tpu.memory_space<semaphore_mem>>) src(%dma_wait3A_91 : memref<72x128xf32, #tpu.memory_space<vmem_shared>>) dst(%dma_wait3A_89 : memref<72x128xf32, #tpu.memory_space<hbm>>)
      tpu.yield
    }) : () -> ()
    return
  }
}

#map = affine_map<(d0, d1) -> (0)>
#map1 = affine_map<(d0, d1) -> (0, 0)>
module attributes {stable_mosaic.version = 14 : i64} {
  func.func @_sc_deg_pos(%arg0: i32, %arg1: i32, %arg2: memref<320000xi32, #tpu.memory_space<hbm>>, %arg3: memref<1024xi32, #tpu.memory_space<hbm>>, %arg4: memref<32x10000xf32, #tpu.memory_space<hbm>>, %arg5: memref<10000xi32, #tpu.memory_space<hbm>>, %arg6: memref<1x1024xi32, #tpu.memory_space<hbm>>, %arg7: memref<32x1024xf32, #tpu.memory_space<hbm>>, %arg8: memref<10000xi32, #tpu.memory_space<vmem>>, %arg9: memref<10000xf32, #tpu.memory_space<vmem>>, %arg10: memref<10000xi32, #tpu.memory_space<vmem>>, %arg11: memref<1024xi32, #tpu.memory_space<vmem>>, %arg12: memref<1024xi32, #tpu.memory_space<vmem>>, %arg13: memref<1024xf32, #tpu.memory_space<vmem>>, %arg14: memref<!tpu.dma_semaphore, #tpu.memory_space<semaphore_mem>>, %arg15: memref<!tpu.dma_semaphore, #tpu.memory_space<semaphore_mem>>) attributes {dimension_semantics = [#tpu.dimension_semantics<core_parallel>, #tpu.dimension_semantics<subcore_parallel>], iteration_bounds = array<i64: 2, 16>, scalar_prefetch = 0 : i64, scratch_operands = 8 : i64, tpu.core_type = #tpu.core_type<sc_vector_subcore>, window_params = [{transform_indices = #map}, {transform_indices = #map}, {transform_indices = #map1}, {transform_indices = #map}, {transform_indices = #map1}, {transform_indices = #map1}]} {
    %mul3A = arith.constant 2 : i32
    %mul3A_0 = arith.muli %arg1, %mul3A : i32
    %add3A = arith.addi %mul3A_0, %arg0 : i32
    %broadcast_in_dim3A = arith.constant 1.000000e+00 : f32
    %broadcast_in_dim3A_1 = vector.broadcast %broadcast_in_dim3A : f32 to vector<16xf32>
    %broadcast_in_dim3A_2 = arith.constant 0.000000e+00 : f32
    %broadcast_in_dim3A_3 = vector.broadcast %broadcast_in_dim3A_2 : f32 to vector<16xf32>
    %iota3A = tpu.iota {dimensions = array<i32: 0>} : vector<16xi32>
    %mul3A_4 = arith.constant 10000 : i32
    %mul3A_5 = arith.muli %add3A, %mul3A_4 : i32
    %dma_start3A = tpu.memref_slice %arg2[%mul3A_5] : memref<320000xi32, #tpu.memory_space<hbm>> -> memref<10000xi32, #tpu.memory_space<hbm>>
    %dma_start3A_6 = tpu.memref_slice %arg2[%mul3A_5] : memref<320000xi32, #tpu.memory_space<hbm>> -> memref<10000xi32, #tpu.memory_space<hbm>>
    tpu.enqueue_dma source(%dma_start3A_6 : memref<10000xi32, #tpu.memory_space<hbm>>) target(%arg8 : memref<10000xi32, #tpu.memory_space<vmem>>) target_semaphore(%arg14 : memref<!tpu.dma_semaphore, #tpu.memory_space<semaphore_mem>>)
    tpu.enqueue_dma source(%arg3 : memref<1024xi32, #tpu.memory_space<hbm>>) target(%arg11 : memref<1024xi32, #tpu.memory_space<vmem>>) target_semaphore(%arg15 : memref<!tpu.dma_semaphore, #tpu.memory_space<semaphore_mem>>)
    %scan3A = arith.constant 0 : i32
    %scan3A_7 = arith.constant 0 : i32
    %scan3A_8 = arith.constant 625 : i32
    %scan3A_9 = arith.addi %scan3A_7, %scan3A_8 : i32
    %scan3A_10 = arith.constant 1 : i32
    %scan3A_11 = scf.for %scan3A_32 = %scan3A_7 to %scan3A_9 step %scan3A_10 iter_args(%scan3A_33 = %scan3A) -> (i32)  : i32 {
      %mul3A_34 = arith.constant 16 : i32
      %mul3A_35 = arith.muli %scan3A_32, %mul3A_34 : i32
      %swap3A = arith.index_cast %mul3A_35 : i32 to index
      %swap3A_36 = tpu.vector_load %arg9[%swap3A] {strides = array<i32>} : memref<10000xf32, #tpu.memory_space<vmem>>, vector<16xf32>,
      tpu.vector_store %arg9[%swap3A], %broadcast_in_dim3A_3 {strides = array<i32>} : memref<10000xf32, #tpu.memory_space<vmem>>, vector<16xf32>,
      %scan3A_37 = arith.constant 0 : i32
      scf.yield %scan3A_37 : i32
    }
    %scan3A_12 = arith.constant 625 : i32
    %dma_wait3A = tpu.memref_slice %arg2[%mul3A_5] : memref<320000xi32, #tpu.memory_space<hbm>> -> memref<10000xi32, #tpu.memory_space<hbm>>
    %dma_wait3A_13 = tpu.memref_slice %arg2[%mul3A_5] : memref<320000xi32, #tpu.memory_space<hbm>> -> memref<10000xi32, #tpu.memory_space<hbm>>
    tpu.wait_dma2 semaphore(%arg14 : memref<!tpu.dma_semaphore, #tpu.memory_space<semaphore_mem>>) src(%dma_wait3A_13 : memref<10000xi32, #tpu.memory_space<hbm>>) dst(%arg8 : memref<10000xi32, #tpu.memory_space<vmem>>)
    %scan3A_14 = arith.constant 0 : i32
    %scan3A_15 = arith.constant 0 : i32
    %scan3A_16 = arith.constant 625 : i32
    %scan3A_17 = arith.addi %scan3A_15, %scan3A_16 : i32
    %scan3A_18 = arith.constant 1 : i32
    %scan3A_19 = scf.for %scan3A_32 = %scan3A_15 to %scan3A_17 step %scan3A_18 iter_args(%scan3A_33 = %scan3A_14) -> (i32)  : i32 {
      %mul3A_34 = arith.constant 16 : i32
      %mul3A_35 = arith.muli %scan3A_32, %mul3A_34 : i32
      %get3A = arith.index_cast %mul3A_35 : i32 to index
      %get3A_36 = tpu.vector_load %arg8[%get3A] {strides = array<i32>} : memref<10000xi32, #tpu.memory_space<vmem>>, vector<16xi32>,
      tpu.vector_store_idx %arg9[%get3A_36], %broadcast_in_dim3A_1 {add = true} : memref<10000xf32, #tpu.memory_space<vmem>>[vector<16xi32>], vector<16xf32>,
      %scan3A_37 = arith.constant 0 : i32
      scf.yield %scan3A_37 : i32
    }
    %scan3A_20 = arith.constant 625 : i32
    "tpu.region"() ({
      %run_scoped3A = tpu.sem_alloc : memref<!tpu.dma_semaphore, #tpu.memory_space<semaphore_mem>>
      %dma_start3A_32 = arith.constant 0 : i32
      %dma_start3A_33 = tpu.memref_slice %arg4[%add3A, %dma_start3A_32] : memref<32x10000xf32, #tpu.memory_space<hbm>> -> memref<1x10000xf32, #tpu.memory_space<hbm>>
      %dma_start3A_34 = tpu.memref_squeeze %dma_start3A_33 : memref<1x10000xf32, #tpu.memory_space<hbm>> -> memref<10000xf32, #tpu.memory_space<hbm>>
      %dma_start3A_35 = arith.constant 0 : i32
      %dma_start3A_36 = tpu.memref_slice %arg4[%add3A, %dma_start3A_35] : memref<32x10000xf32, #tpu.memory_space<hbm>> -> memref<1x10000xf32, #tpu.memory_space<hbm>>
      %dma_start3A_37 = tpu.memref_squeeze %dma_start3A_36 : memref<1x10000xf32, #tpu.memory_space<hbm>> -> memref<10000xf32, #tpu.memory_space<hbm>>
      tpu.enqueue_dma source(%arg9 : memref<10000xf32, #tpu.memory_space<vmem>>) target(%dma_start3A_37 : memref<10000xf32, #tpu.memory_space<hbm>>) target_semaphore(%run_scoped3A : memref<!tpu.dma_semaphore, #tpu.memory_space<semaphore_mem>>)
      %dma_wait3A_38 = arith.constant 0 : i32
      %dma_wait3A_39 = tpu.memref_slice %arg4[%add3A, %dma_wait3A_38] : memref<32x10000xf32, #tpu.memory_space<hbm>> -> memref<1x10000xf32, #tpu.memory_space<hbm>>
      %dma_wait3A_40 = tpu.memref_squeeze %dma_wait3A_39 : memref<1x10000xf32, #tpu.memory_space<hbm>> -> memref<10000xf32, #tpu.memory_space<hbm>>
      %dma_wait3A_41 = arith.constant 0 : i32
      %dma_wait3A_42 = tpu.memref_slice %arg4[%add3A, %dma_wait3A_41] : memref<32x10000xf32, #tpu.memory_space<hbm>> -> memref<1x10000xf32, #tpu.memory_space<hbm>>
      %dma_wait3A_43 = tpu.memref_squeeze %dma_wait3A_42 : memref<1x10000xf32, #tpu.memory_space<hbm>> -> memref<10000xf32, #tpu.memory_space<hbm>>
      tpu.wait_dma2 semaphore(%run_scoped3A : memref<!tpu.dma_semaphore, #tpu.memory_space<semaphore_mem>>) src(%arg9 : memref<10000xf32, #tpu.memory_space<vmem>>) dst(%dma_wait3A_43 : memref<10000xf32, #tpu.memory_space<hbm>>)
      tpu.yield
    }) : () -> ()
    tpu.wait_dma2 semaphore(%arg15 : memref<!tpu.dma_semaphore, #tpu.memory_space<semaphore_mem>>) src(%arg3 : memref<1024xi32, #tpu.memory_space<hbm>>) dst(%arg11 : memref<1024xi32, #tpu.memory_space<vmem>>)
    %scan3A_21 = arith.constant 0 : i32
    %scan3A_22 = arith.constant 0 : i32
    %scan3A_23 = arith.constant 64 : i32
    %scan3A_24 = arith.addi %scan3A_22, %scan3A_23 : i32
    %scan3A_25 = arith.constant 1 : i32
    %scan3A_26 = scf.for %scan3A_32 = %scan3A_22 to %scan3A_24 step %scan3A_25 iter_args(%scan3A_33 = %scan3A_21) -> (i32)  : i32 {
      %mul3A_34 = arith.constant 16 : i32
      %mul3A_35 = arith.muli %scan3A_32, %mul3A_34 : i32
      %get3A = arith.index_cast %mul3A_35 : i32 to index
      %get3A_36 = tpu.vector_load %arg11[%get3A] {strides = array<i32>} : memref<1024xi32, #tpu.memory_space<vmem>>, vector<16xi32>,
      %gather3A = tpu.vector_load_idx %arg9[%get3A_36] : memref<10000xf32, #tpu.memory_space<vmem>>[vector<16xi32>], vector<16xf32>,
      %mul3A_37 = arith.constant 16 : i32
      %mul3A_38 = arith.muli %scan3A_32, %mul3A_37 : i32
      %swap3A = arith.index_cast %mul3A_38 : i32 to index
      %swap3A_39 = tpu.vector_load %arg13[%swap3A] {strides = array<i32>} : memref<1024xf32, #tpu.memory_space<vmem>>, vector<16xf32>,
      tpu.vector_store %arg13[%swap3A], %gather3A {strides = array<i32>} : memref<1024xf32, #tpu.memory_space<vmem>>, vector<16xf32>,
      %scan3A_40 = arith.constant 0 : i32
      scf.yield %scan3A_40 : i32
    }
    %scan3A_27 = arith.constant 64 : i32
    "tpu.region"() ({
      %run_scoped3A = tpu.sem_alloc : memref<!tpu.dma_semaphore, #tpu.memory_space<semaphore_mem>>
      %dma_start3A_32 = arith.constant 0 : i32
      %dma_start3A_33 = tpu.memref_slice %arg7[%add3A, %dma_start3A_32] : memref<32x1024xf32, #tpu.memory_space<hbm>> -> memref<1x1024xf32, #tpu.memory_space<hbm>>
      %dma_start3A_34 = tpu.memref_squeeze %dma_start3A_33 : memref<1x1024xf32, #tpu.memory_space<hbm>> -> memref<1024xf32, #tpu.memory_space<hbm>>
      %dma_start3A_35 = arith.constant 0 : i32
      %dma_start3A_36 = tpu.memref_slice %arg7[%add3A, %dma_start3A_35] : memref<32x1024xf32, #tpu.memory_space<hbm>> -> memref<1x1024xf32, #tpu.memory_space<hbm>>
      %dma_start3A_37 = tpu.memref_squeeze %dma_start3A_36 : memref<1x1024xf32, #tpu.memory_space<hbm>> -> memref<1024xf32, #tpu.memory_space<hbm>>
      tpu.enqueue_dma source(%arg13 : memref<1024xf32, #tpu.memory_space<vmem>>) target(%dma_start3A_37 : memref<1024xf32, #tpu.memory_space<hbm>>) target_semaphore(%run_scoped3A : memref<!tpu.dma_semaphore, #tpu.memory_space<semaphore_mem>>)
      %dma_wait3A_38 = arith.constant 0 : i32
      %dma_wait3A_39 = tpu.memref_slice %arg7[%add3A, %dma_wait3A_38] : memref<32x1024xf32, #tpu.memory_space<hbm>> -> memref<1x1024xf32, #tpu.memory_space<hbm>>
      %dma_wait3A_40 = tpu.memref_squeeze %dma_wait3A_39 : memref<1x1024xf32, #tpu.memory_space<hbm>> -> memref<1024xf32, #tpu.memory_space<hbm>>
      %dma_wait3A_41 = arith.constant 0 : i32
      %dma_wait3A_42 = tpu.memref_slice %arg7[%add3A, %dma_wait3A_41] : memref<32x1024xf32, #tpu.memory_space<hbm>> -> memref<1x1024xf32, #tpu.memory_space<hbm>>
      %dma_wait3A_43 = tpu.memref_squeeze %dma_wait3A_42 : memref<1x1024xf32, #tpu.memory_space<hbm>> -> memref<1024xf32, #tpu.memory_space<hbm>>
      tpu.wait_dma2 semaphore(%run_scoped3A : memref<!tpu.dma_semaphore, #tpu.memory_space<semaphore_mem>>) src(%arg13 : memref<1024xf32, #tpu.memory_space<vmem>>) dst(%dma_wait3A_43 : memref<1024xf32, #tpu.memory_space<hbm>>)
      tpu.yield
    }) : () -> ()
    %eq3A = arith.constant 0 : i32
    %eq3A_28 = arith.cmpi eq, %arg0, %eq3A : i32
    %eq3A_29 = arith.constant 0 : i32
    %eq3A_30 = arith.cmpi eq, %arg1, %eq3A_29 : i32
    %and3A = arith.andi %eq3A_28, %eq3A_30 : i1
    %convert_element_type3A = arith.extui %and3A : i1 to i32
    %cond3A = arith.constant 0 : i32
    %cond3A_31 = arith.cmpi ne, %convert_element_type3A, %cond3A : i32
    scf.if %cond3A_31 {
      %broadcast_in_dim3A_32 = arith.constant -1 : i32
      %broadcast_in_dim3A_33 = vector.broadcast %broadcast_in_dim3A_32 : i32 to vector<16xi32>
      %scan3A_34 = arith.constant 0 : i32
      %scan3A_35 = arith.constant 0 : i32
      %scan3A_36 = arith.constant 625 : i32
      %scan3A_37 = arith.addi %scan3A_35, %scan3A_36 : i32
      %scan3A_38 = arith.constant 1 : i32
      %scan3A_39 = scf.for %scan3A_55 = %scan3A_35 to %scan3A_37 step %scan3A_38 iter_args(%scan3A_56 = %scan3A_34) -> (i32)  : i32 {
        %mul3A_57 = arith.constant 16 : i32
        %mul3A_58 = arith.muli %scan3A_55, %mul3A_57 : i32
        %swap3A = arith.index_cast %mul3A_58 : i32 to index
        %swap3A_59 = tpu.vector_load %arg10[%swap3A] {strides = array<i32>} : memref<10000xi32, #tpu.memory_space<vmem>>, vector<16xi32>,
        tpu.vector_store %arg10[%swap3A], %broadcast_in_dim3A_33 {strides = array<i32>} : memref<10000xi32, #tpu.memory_space<vmem>>, vector<16xi32>,
        %scan3A_60 = arith.constant 0 : i32
        scf.yield %scan3A_60 : i32
      }
      %scan3A_40 = arith.constant 625 : i32
      %scan3A_41 = arith.constant 0 : i32
      %scan3A_42 = arith.constant 0 : i32
      %scan3A_43 = arith.constant 64 : i32
      %scan3A_44 = arith.addi %scan3A_42, %scan3A_43 : i32
      %scan3A_45 = arith.constant 1 : i32
      %scan3A_46 = scf.for %scan3A_55 = %scan3A_42 to %scan3A_44 step %scan3A_45 iter_args(%scan3A_56 = %scan3A_41) -> (i32)  : i32 {
        %mul3A_57 = arith.constant 16 : i32
        %mul3A_58 = arith.muli %scan3A_55, %mul3A_57 : i32
        %get3A = arith.index_cast %mul3A_58 : i32 to index
        %get3A_59 = tpu.vector_load %arg11[%get3A] {strides = array<i32>} : memref<1024xi32, #tpu.memory_space<vmem>>, vector<16xi32>,
        %mul3A_60 = arith.constant 16 : i32
        %mul3A_61 = arith.muli %scan3A_55, %mul3A_60 : i32
        %add3A_62 = vector.broadcast %mul3A_61 : i32 to vector<16xi32>
        %add3A_63 = arith.addi %iota3A, %add3A_62 : vector<16xi32>
        tpu.vector_store_idx %arg10[%get3A_59], %add3A_63 : memref<10000xi32, #tpu.memory_space<vmem>>[vector<16xi32>], vector<16xi32>,
        %scan3A_64 = arith.constant 0 : i32
        scf.yield %scan3A_64 : i32
      }
      %scan3A_47 = arith.constant 64 : i32
      %scan3A_48 = arith.constant 0 : i32
      %scan3A_49 = arith.constant 0 : i32
      %scan3A_50 = arith.constant 64 : i32
      %scan3A_51 = arith.addi %scan3A_49, %scan3A_50 : i32
      %scan3A_52 = arith.constant 1 : i32
      %scan3A_53 = scf.for %scan3A_55 = %scan3A_49 to %scan3A_51 step %scan3A_52 iter_args(%scan3A_56 = %scan3A_48) -> (i32)  : i32 {
        %mul3A_57 = arith.constant 16 : i32
        %mul3A_58 = arith.muli %scan3A_55, %mul3A_57 : i32
        %get3A = arith.index_cast %mul3A_58 : i32 to index
        %get3A_59 = tpu.vector_load %arg11[%get3A] {strides = array<i32>} : memref<1024xi32, #tpu.memory_space<vmem>>, vector<16xi32>,
        %gather3A = tpu.vector_load_idx %arg10[%get3A_59] : memref<10000xi32, #tpu.memory_space<vmem>>[vector<16xi32>], vector<16xi32>,
        %mul3A_60 = arith.constant 16 : i32
        %mul3A_61 = arith.muli %scan3A_55, %mul3A_60 : i32
        %swap3A = arith.index_cast %mul3A_61 : i32 to index
        %swap3A_62 = tpu.vector_load %arg12[%swap3A] {strides = array<i32>} : memref<1024xi32, #tpu.memory_space<vmem>>, vector<16xi32>,
        tpu.vector_store %arg12[%swap3A], %gather3A {strides = array<i32>} : memref<1024xi32, #tpu.memory_space<vmem>>, vector<16xi32>,
        %scan3A_63 = arith.constant 0 : i32
        scf.yield %scan3A_63 : i32
      }
      %scan3A_54 = arith.constant 64 : i32
      "tpu.region"() ({
        %run_scoped3A_55 = tpu.sem_alloc : memref<!tpu.dma_semaphore, #tpu.memory_space<semaphore_mem>>
        tpu.enqueue_dma source(%arg10 : memref<10000xi32, #tpu.memory_space<vmem>>) target(%arg5 : memref<10000xi32, #tpu.memory_space<hbm>>) target_semaphore(%run_scoped3A_55 : memref<!tpu.dma_semaphore, #tpu.memory_space<semaphore_mem>>)
        tpu.wait_dma2 semaphore(%run_scoped3A_55 : memref<!tpu.dma_semaphore, #tpu.memory_space<semaphore_mem>>) src(%arg10 : memref<10000xi32, #tpu.memory_space<vmem>>) dst(%arg5 : memref<10000xi32, #tpu.memory_space<hbm>>)
        tpu.yield
      }) : () -> ()
      %run_scoped3A = arith.constant 0 : i32
      "tpu.region"() ({
        %run_scoped3A_55 = tpu.sem_alloc : memref<!tpu.dma_semaphore, #tpu.memory_space<semaphore_mem>>
        %dma_start3A_56 = arith.constant 0 : i32
        %dma_start3A_57 = tpu.memref_slice %arg6[%run_scoped3A, %dma_start3A_56] : memref<1x1024xi32, #tpu.memory_space<hbm>> -> memref<1x1024xi32, #tpu.memory_space<hbm>>
        %dma_start3A_58 = tpu.memref_squeeze %dma_start3A_57 : memref<1x1024xi32, #tpu.memory_space<hbm>> -> memref<1024xi32, #tpu.memory_space<hbm>>
        %dma_start3A_59 = arith.constant 0 : i32
        %dma_start3A_60 = tpu.memref_slice %arg6[%run_scoped3A, %dma_start3A_59] : memref<1x1024xi32, #tpu.memory_space<hbm>> -> memref<1x1024xi32, #tpu.memory_space<hbm>>
        %dma_start3A_61 = tpu.memref_squeeze %dma_start3A_60 : memref<1x1024xi32, #tpu.memory_space<hbm>> -> memref<1024xi32, #tpu.memory_space<hbm>>
        tpu.enqueue_dma source(%arg12 : memref<1024xi32, #tpu.memory_space<vmem>>) target(%dma_start3A_61 : memref<1024xi32, #tpu.memory_space<hbm>>) target_semaphore(%run_scoped3A_55 : memref<!tpu.dma_semaphore, #tpu.memory_space<semaphore_mem>>)
        %dma_wait3A_62 = arith.constant 0 : i32
        %dma_wait3A_63 = tpu.memref_slice %arg6[%run_scoped3A, %dma_wait3A_62] : memref<1x1024xi32, #tpu.memory_space<hbm>> -> memref<1x1024xi32, #tpu.memory_space<hbm>>
        %dma_wait3A_64 = tpu.memref_squeeze %dma_wait3A_63 : memref<1x1024xi32, #tpu.memory_space<hbm>> -> memref<1024xi32, #tpu.memory_space<hbm>>
        %dma_wait3A_65 = arith.constant 0 : i32
        %dma_wait3A_66 = tpu.memref_slice %arg6[%run_scoped3A, %dma_wait3A_65] : memref<1x1024xi32, #tpu.memory_space<hbm>> -> memref<1x1024xi32, #tpu.memory_space<hbm>>
        %dma_wait3A_67 = tpu.memref_squeeze %dma_wait3A_66 : memref<1x1024xi32, #tpu.memory_space<hbm>> -> memref<1024xi32, #tpu.memory_space<hbm>>
        tpu.wait_dma2 semaphore(%run_scoped3A_55 : memref<!tpu.dma_semaphore, #tpu.memory_space<semaphore_mem>>) src(%arg12 : memref<1024xi32, #tpu.memory_space<vmem>>) dst(%dma_wait3A_67 : memref<1024xi32, #tpu.memory_space<hbm>>)
        tpu.yield
      }) : () -> ()
    } else {
    }
    return
  }
}

module attributes {stable_mosaic.version = 14 : i64} {
  func.func @_tc_head_body(%arg0: memref<2x1152x128xf32, #tpu.memory_space<vmem>>, %arg1: memref<1024x128xf32, #tpu.memory_space<vmem>>, %arg2: memref<1x1024xi32, #tpu.memory_space<vmem>>, %arg3: memref<32x1024xf32, #tpu.memory_space<vmem>>, %arg4: memref<1x128xf32, #tpu.memory_space<vmem>>, %arg5: memref<128x128xf32, #tpu.memory_space<vmem>>, %arg6: memref<1x128xf32, #tpu.memory_space<vmem>>, %arg7: memref<128x128xf32, #tpu.memory_space<vmem>>, %arg8: memref<1x128xf32, #tpu.memory_space<vmem>>, %arg9: memref<128x64xf32, #tpu.memory_space<vmem>>, %arg10: memref<1x64xf32, #tpu.memory_space<vmem>>, %arg11: memref<64x10xf32, #tpu.memory_space<vmem>>, %arg12: memref<1x10xf32, #tpu.memory_space<vmem>>, %arg13: memref<1024x10xf32, #tpu.memory_space<vmem>>) attributes {dimension_semantics = [], scalar_prefetch = 0 : i64, scratch_operands = 0 : i64, tpu.core_type = #tpu.core_type<tc>} {
    %get3A = arith.constant 0 : index
    %get3A_0 = arith.constant 0 : index
    %get3A_1 = arith.constant 0 : index
    %get3A_2 = vector.load %arg0[%get3A, %get3A_0, %get3A_1] : memref<2x1152x128xf32, #tpu.memory_space<vmem>>, vector<1x1024x128xf32>
    %get3A_3 = vector.shape_cast %get3A_2 : vector<1x1024x128xf32> to vector<1024x128xf32>
    %get3A_4 = arith.constant 1 : index
    %get3A_5 = arith.constant 0 : index
    %get3A_6 = arith.constant 0 : index
    %get3A_7 = vector.load %arg0[%get3A_4, %get3A_5, %get3A_6] : memref<2x1152x128xf32, #tpu.memory_space<vmem>>, vector<1x1024x128xf32>
    %get3A_8 = vector.shape_cast %get3A_7 : vector<1x1024x128xf32> to vector<1024x128xf32>
    %add3A = arith.addf %get3A_3, %get3A_8 : vector<1024x128xf32>
    %broadcast_in_dim3A = arith.constant 1.000000e+00 : f32
    %broadcast_in_dim3A_9 = vector.broadcast %broadcast_in_dim3A : f32 to vector<32x1xf32>
    %get3A_10 = arith.constant 0 : index
    %get3A_11 = arith.constant 0 : index
    %get3A_12 = vector.load %arg3[%get3A_10, %get3A_11] : memref<32x1024xf32, #tpu.memory_space<vmem>>, vector<32x1024xf32>
    %dot_general3A = arith.constant dense<0.000000e+00> : vector<1024x1xf32>
    %dot_general3A_13 = tpu.matmul %get3A_12, %broadcast_in_dim3A_9, %dot_general3A {dimension_numbers = #tpu.dot_dimension_numbers<[0], [0], [1], [1], [0, 1, 1, 1], [], []>, transpose_lhs_hint = false} : vector<32x1024xf32>, vector<32x1xf32>, vector<1024x1xf32> -> vector<1024x1xf32>
    %add3A_14 = arith.constant 1.000000e+00 : f32
    %add3A_15 = vector.broadcast %add3A_14 : f32 to vector<1024x1xf32>
    %add3A_16 = arith.addf %dot_general3A_13, %add3A_15 : vector<1024x1xf32>
    %rsqrt3A = math.rsqrt %add3A_16 : vector<1024x1xf32>
    %iota3A = tpu.iota {dimensions = array<i32: 0>} : vector<1024x1024xi32>
    %get3A_17 = arith.constant 0 : index
    %get3A_18 = arith.constant 0 : index
    %get3A_19 = vector.load %arg2[%get3A_17, %get3A_18] : memref<1x1024xi32, #tpu.memory_space<vmem>>, vector<1x1024xi32>
    %eq3A = vector.broadcast %get3A_19 : vector<1x1024xi32> to vector<1024x1024xi32>
    %eq3A_20 = arith.cmpi eq, %iota3A, %eq3A : vector<1024x1024xi32>
    %jit3A = arith.constant 1.000000e+00 : f32
    %jit3A_21 = arith.constant 0.000000e+00 : f32
    %broadcast_in_dim3A_22 = vector.broadcast %jit3A : f32 to vector<1024x1024xf32>
    %broadcast_in_dim3A_23 = vector.broadcast %jit3A_21 : f32 to vector<1024x1024xf32>
    %select_n3A = arith.select %eq3A_20, %broadcast_in_dim3A_22, %broadcast_in_dim3A_23 : vector<1024x1024xi1>, vector<1024x1024xf32>
    %dot_general3A_24 = arith.constant dense<0.000000e+00> : vector<1024x128xf32>
    %dot_general3A_25 = tpu.matmul %select_n3A, %add3A, %dot_general3A_24 {dimension_numbers = #tpu.dot_dimension_numbers<[0], [0], [1], [1], [0, 1, 1, 1], [], []>, transpose_lhs_hint = false} : vector<1024x1024xf32>, vector<1024x128xf32>, vector<1024x128xf32> -> vector<1024x128xf32>
    %get3A_26 = arith.constant 0 : index
    %get3A_27 = arith.constant 0 : index
    %get3A_28 = vector.load %arg1[%get3A_26, %get3A_27] : memref<1024x128xf32, #tpu.memory_space<vmem>>, vector<1024x128xf32>
    %add3A_29 = arith.addf %dot_general3A_25, %get3A_28 : vector<1024x128xf32>
    %mul3A = vector.broadcast %rsqrt3A : vector<1024x1xf32> to vector<1024x128xf32>
    %mul3A_30 = arith.mulf %add3A_29, %mul3A : vector<1024x128xf32>
    %get3A_31 = arith.constant 0 : index
    %get3A_32 = arith.constant 0 : index
    %get3A_33 = vector.load %arg4[%get3A_31, %get3A_32] : memref<1x128xf32, #tpu.memory_space<vmem>>, vector<1x128xf32>
    %add3A_34 = vector.broadcast %get3A_33 : vector<1x128xf32> to vector<1024x128xf32>
    %add3A_35 = arith.addf %mul3A_30, %add3A_34 : vector<1024x128xf32>
    %gt3A = arith.constant 0.000000e+00 : f32
    %gt3A_36 = vector.broadcast %gt3A : f32 to vector<1024x128xf32>
    %gt3A_37 = arith.cmpf ogt, %add3A_35, %gt3A_36 : vector<1024x128xf32>
    %mul3A_38 = arith.constant 0.00999999977 : f32
    %mul3A_39 = vector.broadcast %mul3A_38 : f32 to vector<1024x128xf32>
    %mul3A_40 = arith.mulf %mul3A_39, %add3A_35 : vector<1024x128xf32>
    %select_n3A_41 = arith.select %gt3A_37, %add3A_35, %mul3A_40 : vector<1024x128xi1>, vector<1024x128xf32>
    %get3A_42 = arith.constant 0 : index
    %get3A_43 = arith.constant 0 : index
    %get3A_44 = vector.load %arg5[%get3A_42, %get3A_43] : memref<128x128xf32, #tpu.memory_space<vmem>>, vector<128x128xf32>
    %dot_general3A_45 = arith.constant dense<0.000000e+00> : vector<1024x128xf32>
    %dot_general3A_46 = tpu.matmul %select_n3A_41, %get3A_44, %dot_general3A_45 {dimension_numbers = #tpu.dot_dimension_numbers<[1], [0], [0], [1], [0, 0, 1, 1], [], []>, transpose_lhs_hint = false} : vector<1024x128xf32>, vector<128x128xf32>, vector<1024x128xf32> -> vector<1024x128xf32>
    %get3A_47 = arith.constant 0 : index
    %get3A_48 = arith.constant 0 : index
    %get3A_49 = vector.load %arg6[%get3A_47, %get3A_48] : memref<1x128xf32, #tpu.memory_space<vmem>>, vector<1x128xf32>
    %add3A_50 = vector.broadcast %get3A_49 : vector<1x128xf32> to vector<1024x128xf32>
    %add3A_51 = arith.addf %dot_general3A_46, %add3A_50 : vector<1024x128xf32>
    %gt3A_52 = arith.constant 0.000000e+00 : f32
    %gt3A_53 = vector.broadcast %gt3A_52 : f32 to vector<1024x128xf32>
    %gt3A_54 = arith.cmpf ogt, %add3A_51, %gt3A_53 : vector<1024x128xf32>
    %mul3A_55 = arith.constant 0.00999999977 : f32
    %mul3A_56 = vector.broadcast %mul3A_55 : f32 to vector<1024x128xf32>
    %mul3A_57 = arith.mulf %mul3A_56, %add3A_51 : vector<1024x128xf32>
    %select_n3A_58 = arith.select %gt3A_54, %add3A_51, %mul3A_57 : vector<1024x128xi1>, vector<1024x128xf32>
    %get3A_59 = arith.constant 0 : index
    %get3A_60 = arith.constant 0 : index
    %get3A_61 = vector.load %arg7[%get3A_59, %get3A_60] : memref<128x128xf32, #tpu.memory_space<vmem>>, vector<128x128xf32>
    %dot_general3A_62 = arith.constant dense<0.000000e+00> : vector<1024x128xf32>
    %dot_general3A_63 = tpu.matmul %select_n3A_58, %get3A_61, %dot_general3A_62 {dimension_numbers = #tpu.dot_dimension_numbers<[1], [0], [0], [1], [0, 0, 1, 1], [], []>, transpose_lhs_hint = false} : vector<1024x128xf32>, vector<128x128xf32>, vector<1024x128xf32> -> vector<1024x128xf32>
    %get3A_64 = arith.constant 0 : index
    %get3A_65 = arith.constant 0 : index
    %get3A_66 = vector.load %arg8[%get3A_64, %get3A_65] : memref<1x128xf32, #tpu.memory_space<vmem>>, vector<1x128xf32>
    %add3A_67 = vector.broadcast %get3A_66 : vector<1x128xf32> to vector<1024x128xf32>
    %add3A_68 = arith.addf %dot_general3A_63, %add3A_67 : vector<1024x128xf32>
    %gt3A_69 = arith.constant 0.000000e+00 : f32
    %gt3A_70 = vector.broadcast %gt3A_69 : f32 to vector<1024x128xf32>
    %gt3A_71 = arith.cmpf ogt, %add3A_68, %gt3A_70 : vector<1024x128xf32>
    %mul3A_72 = arith.constant 0.00999999977 : f32
    %mul3A_73 = vector.broadcast %mul3A_72 : f32 to vector<1024x128xf32>
    %mul3A_74 = arith.mulf %mul3A_73, %add3A_68 : vector<1024x128xf32>
    %select_n3A_75 = arith.select %gt3A_71, %add3A_68, %mul3A_74 : vector<1024x128xi1>, vector<1024x128xf32>
    %get3A_76 = arith.constant 0 : index
    %get3A_77 = arith.constant 0 : index
    %get3A_78 = vector.load %arg9[%get3A_76, %get3A_77] : memref<128x64xf32, #tpu.memory_space<vmem>>, vector<128x64xf32>
    %dot_general3A_79 = arith.constant dense<0.000000e+00> : vector<1024x64xf32>
    %dot_general3A_80 = tpu.matmul %select_n3A_75, %get3A_78, %dot_general3A_79 {dimension_numbers = #tpu.dot_dimension_numbers<[1], [0], [0], [1], [0, 0, 1, 1], [], []>, transpose_lhs_hint = false} : vector<1024x128xf32>, vector<128x64xf32>, vector<1024x64xf32> -> vector<1024x64xf32>
    %get3A_81 = arith.constant 0 : index
    %get3A_82 = arith.constant 0 : index
    %get3A_83 = vector.load %arg10[%get3A_81, %get3A_82] : memref<1x64xf32, #tpu.memory_space<vmem>>, vector<1x64xf32>
    %add3A_84 = vector.broadcast %get3A_83 : vector<1x64xf32> to vector<1024x64xf32>
    %add3A_85 = arith.addf %dot_general3A_80, %add3A_84 : vector<1024x64xf32>
    %gt3A_86 = arith.constant 0.000000e+00 : f32
    %gt3A_87 = vector.broadcast %gt3A_86 : f32 to vector<1024x64xf32>
    %gt3A_88 = arith.cmpf ogt, %add3A_85, %gt3A_87 : vector<1024x64xf32>
    %mul3A_89 = arith.constant 0.00999999977 : f32
    %mul3A_90 = vector.broadcast %mul3A_89 : f32 to vector<1024x64xf32>
    %mul3A_91 = arith.mulf %mul3A_90, %add3A_85 : vector<1024x64xf32>
    %select_n3A_92 = arith.select %gt3A_88, %add3A_85, %mul3A_91 : vector<1024x64xi1>, vector<1024x64xf32>
    %get3A_93 = arith.constant 0 : index
    %get3A_94 = arith.constant 0 : index
    %get3A_95 = vector.load %arg11[%get3A_93, %get3A_94] : memref<64x10xf32, #tpu.memory_space<vmem>>, vector<64x10xf32>
    %dot_general3A_96 = arith.constant dense<0.000000e+00> : vector<1024x10xf32>
    %dot_general3A_97 = tpu.matmul %select_n3A_92, %get3A_95, %dot_general3A_96 {dimension_numbers = #tpu.dot_dimension_numbers<[1], [0], [0], [1], [0, 0, 1, 1], [], []>, transpose_lhs_hint = false} : vector<1024x64xf32>, vector<64x10xf32>, vector<1024x10xf32> -> vector<1024x10xf32>
    %get3A_98 = arith.constant 0 : index
    %get3A_99 = arith.constant 0 : index
    %get3A_100 = vector.load %arg12[%get3A_98, %get3A_99] : memref<1x10xf32, #tpu.memory_space<vmem>>, vector<1x10xf32>
    %add3A_101 = vector.broadcast %get3A_100 : vector<1x10xf32> to vector<1024x10xf32>
    %add3A_102 = arith.addf %dot_general3A_97, %add3A_101 : vector<1024x10xf32>
    %reduce_max3A = arith.constant dense<0xFF800000> : vector<1024xf32>
    %reduce_max3A_103 = vector.multi_reduction <maximumf>, %add3A_102, %reduce_max3A [1] : vector<1024x10xf32> to vector<1024xf32>
    %broadcast_in_dim3A_104 = vector.shape_cast %reduce_max3A_103 : vector<1024xf32> to vector<1024x1xf32>
    %sub3A = vector.broadcast %broadcast_in_dim3A_104 : vector<1024x1xf32> to vector<1024x10xf32>
    %sub3A_105 = arith.subf %add3A_102, %sub3A : vector<1024x10xf32>
    %exp3A = math.exp %sub3A_105 : vector<1024x10xf32>
    %reduce_sum3A = arith.constant dense<0.000000e+00> : vector<1024xf32>
    %reduce_sum3A_106 = vector.multi_reduction <add>, %exp3A, %reduce_sum3A [1] : vector<1024x10xf32> to vector<1024xf32>
    %broadcast_in_dim3A_107 = vector.shape_cast %reduce_sum3A_106 : vector<1024xf32> to vector<1024x1xf32>
    %div3A = vector.broadcast %broadcast_in_dim3A_107 : vector<1024x1xf32> to vector<1024x10xf32>
    %div3A_108 = arith.divf %exp3A, %div3A : vector<1024x10xf32>
    %swap3A = arith.constant 0 : index
    %swap3A_109 = arith.constant 0 : index
    %swap3A_110 = vector.load %arg13[%swap3A, %swap3A_109] : memref<1024x10xf32, #tpu.memory_space<vmem>>, vector<1024x10xf32>
    tpu.vector_store %arg13[%swap3A, %swap3A_109], %div3A_108 {strides = array<i32>} : memref<1024x10xf32, #tpu.memory_space<vmem>>, vector<1024x10xf32>,
    return
  }
}

module attributes {stable_mosaic.version = 14 : i64} {
  func.func @_tc_y_body(%arg0: memref<10000x128xf32, #tpu.memory_space<vmem>>, %arg1: memref<128x128xf32, #tpu.memory_space<vmem>>, %arg2: memref<32x10000xf32, #tpu.memory_space<vmem>>, %arg3: memref<10000x128xf32, #tpu.memory_space<vmem>>) attributes {dimension_semantics = [], scalar_prefetch = 0 : i64, scratch_operands = 0 : i64, tpu.core_type = #tpu.core_type<tc>} {
    %get3A = arith.constant 0 : index
    %get3A_0 = arith.constant 0 : index
    %get3A_1 = vector.load %arg2[%get3A, %get3A_0] : memref<32x10000xf32, #tpu.memory_space<vmem>>, vector<32x10000xf32>
    %reduce_sum3A = arith.constant dense<0.000000e+00> : vector<10000xf32>
    %reduce_sum3A_2 = vector.multi_reduction <add>, %get3A_1, %reduce_sum3A [0] : vector<32x10000xf32> to vector<10000xf32>
    %add3A = arith.constant 1.000000e+00 : f32
    %add3A_3 = vector.broadcast %add3A : f32 to vector<10000xf32>
    %add3A_4 = arith.addf %reduce_sum3A_2, %add3A_3 : vector<10000xf32>
    %rsqrt3A = math.rsqrt %add3A_4 : vector<10000xf32>
    %get3A_5 = arith.constant 0 : index
    %get3A_6 = arith.constant 0 : index
    %get3A_7 = vector.load %arg0[%get3A_5, %get3A_6] : memref<10000x128xf32, #tpu.memory_space<vmem>>, vector<10000x128xf32>
    %get3A_8 = arith.constant 0 : index
    %get3A_9 = arith.constant 0 : index
    %get3A_10 = vector.load %arg1[%get3A_8, %get3A_9] : memref<128x128xf32, #tpu.memory_space<vmem>>, vector<128x128xf32>
    %dot_general3A = arith.constant dense<0.000000e+00> : vector<10000x128xf32>
    %dot_general3A_11 = tpu.matmul %get3A_7, %get3A_10, %dot_general3A {dimension_numbers = #tpu.dot_dimension_numbers<[1], [0], [0], [1], [0, 0, 1, 1], [], []>, transpose_lhs_hint = false} : vector<10000x128xf32>, vector<128x128xf32>, vector<10000x128xf32> -> vector<10000x128xf32>
    %broadcast_in_dim3A = vector.shape_cast %rsqrt3A : vector<10000xf32> to vector<10000x1xf32>
    %mul3A = vector.broadcast %broadcast_in_dim3A : vector<10000x1xf32> to vector<10000x128xf32>
    %mul3A_12 = arith.mulf %dot_general3A_11, %mul3A : vector<10000x128xf32>
    %swap3A = arith.constant 0 : index
    %swap3A_13 = arith.constant 0 : index
    %swap3A_14 = vector.load %arg3[%swap3A, %swap3A_13] : memref<10000x128xf32, #tpu.memory_space<vmem>>, vector<10000x128xf32>
    tpu.vector_store %arg3[%swap3A, %swap3A_13], %mul3A_12 {strides = array<i32>} : memref<10000x128xf32, #tpu.memory_space<vmem>>, vector<10000x128xf32>,
    return
  }
}

</mosaic_0001>

<sc_bundles>
// kernel: kernel.6.cloned.1.call-start
scs
__scs_entry_jumppad:
0x0: {  	(pc) =	sbr.rel $0x88, $3  }
0x1: {  	(tag) =	ssettag $0x0;
	lr =	simm.s32 $0x1  }
0x2: {  	[smem:$0x3F94] =	sst lr;
	_ =	strace $0xD0000000  }
0x3: {  	_ = 	snop  }
0x4: {  	_ = 	snop  }
0x5: {  	_ = 	snop  }
0x6: {  	_ = 	snop  }
0x7: {  	_ = 	snop  }
__scs_overlays_trampoline_lowered:
0x8: {  	[smem:$0x3FA3] =	sst s0  }
0x9: {  	[smem:$0x3FA4] =	sst s1  }
0xa: {  	[smem:$0x3FA5] =	sst s2  }
0xb: {  	[smem:$0x3FA6] =	sst s3  }
0xc: {  	[smem:$0x3FA7] =	sst s4  }
0xd: {  	[smem:$0x3FA8] =	sst s5  }
0xe: {  	[smem:$0x3FA9] =	sst s6  }
0xf: {  	[smem:$0x3FAA] =	sst s7  }
0x10: {  	[smem:$0x3FAB] =	sst s8  }
0x11: {  	[smem:$0x3FAC] =	sst s9;
	s0 =	simm.s32 @!p0 $0x0  }
0x12: {  	s1 =	sld [smem:$0x3F92];
	s0 =	simm.s32 @p0 $0x1  }
0x13: {  	[smem:$0x3FAD] =	sst s0;
	s0 =	simm.s32 @!p1 $0x0  }
0x14: {  	s2 =	sld [smem:$0x3F91];
	s0 =	simm.s32 @p1 $0x1  }
0x15: {  	[smem:$0x3FAE] =	sst s0;
	s0 =	simm.s32 @!p2 $0x0  }
0x16: {  	s3 =	sld [smem:$0x3FDB];
	s0 =	simm.s32 @p2 $0x1  }
0x17: {  	s4 =	simm.s32 $0x1BF5;
	[smem:$0x3FB0] =	sst s0  }
0x18: {  	s0 =	sld [smem:$0x3F93];
	_ =	swait.ge [sflag:s4], $0x0  }
0x19: {  	s7 =	sld [smem:$0x3F94]  }
0x1a: {  	s8 =	sadd.s32 $0xFFFFE003, lr  }
0x1b: {  	s9 =	sadd.s32 $0xFFFFFEF7, lr;
	s5 =	simm.s32 $0xFFFFFFFF;
	p2 =	slt.u32 s8, $0xFFFFF086  }
0x1c: {  	p1 =	slt.u32 s9, $0xF7A;
	s5 =	simm.s32 @!p2 $0x0  }
0x1d: {  	s5 =	simm.s32 @p1 $0x1;
	p0 =	seq.s32 s7, s2  }
0x1e: {  	s7 =	smul.u32 @!p0 $0xF7A, s2;
	p2 =	seq.s32 @!p0 s5, $0x0  }
0x1f: {  	s9 =	smul.u32 $0xF7A, s1;
	s8 =	simm.s32 @!p0 $0x1BF5;
	p2 =	por !p2, p0  }
0x20: {  	[sflag:s8] =	ssyncset.s32 @!p0 $0xFFFFF086;
	s6 =	sadd.s32 @!p0 s3, s7;
	s7 =	simm.s32 @!p0 $0x108  }
0x21: {  	s3 =	sadd.s32 s3, s9;
	s6 =	sadd.s32 @!p0 $0x88, s6;
	s7 =	simm.s32 @p2 $0x1082  }
0x22: {  	[simem:s7], [sflag:s8] =	dma.local @!p0 [hbm:s6], $0xF7A  }
0x23: {  	s9 =	sor.u32 $0xD0000000, s2;
	s6 =	simm.s32 $0x108;
	_ =	swait.ge @!p0 [sflag:s8], $0x0  }
0x24: {  	s3 =	sadd.s32 $0x88, s3;
	s6 =	simm.s32 @!p1 $0x1082;
	[sflag:s4] =	ssyncset.s32 $0xFFFFF086  }
0x25: {  	[simem:s6], [sflag:s4] =	dma.local [hbm:s3], $0xF7A  }
0x26: {  	[smem:$0x3F94] =	sst s1;
	(tag) =	ssettag s2;
	_ =	strace s9  }
0x27: {  	s1 =	sld [smem:$0x3FA4]  }
0x28: {  	s2 =	sld [smem:$0x3FA5]  }
0x29: {  	s4 =	sld [smem:$0x3FA7]  }
0x2a: {  	p0 =	seq.s32 s5, $0x0;
	s5 =	sld [smem:$0x3FA8]  }
0x2b: {  	s6 =	sld [smem:$0x3FA9]  }
0x2c: {  	s7 =	sld [smem:$0x3FAA]  }
0x2d: {  	s3 =	simm.s32 $0x108;
	s8 =	sld [smem:$0x3FAB]  }
0x2e: {  	s3 =	simm.s32 @!p0 $0x1082;
	s9 =	sld [smem:$0x3FAC]  }
0x2f: {  	lr =	sadd.s32 s0, s3;
	s0 =	sld [smem:$0x3FA3]  }
0x30: {  	s3 =	sld [smem:$0x3FA6]  }
0x31: {  	[smem:$0x3FAF] =	sst s10  }
0x32: {  	s10 =	sld [smem:$0x3FAD];
	_ =	sdelay $0x3  }
0x33: {  	p0 =	seq.s32 s10, $0x1;
	s10 =	sld [smem:$0x3FAF];
	_ =	sdelay $0x3  }
0x34: {  	[smem:$0x3FAF] =	sst s10  }
0x35: {  	s10 =	sld [smem:$0x3FAE];
	_ =	sdelay $0x3  }
0x36: {  	p1 =	seq.s32 s10, $0x1;
	s10 =	sld [smem:$0x3FAF];
	_ =	sdelay $0x3  }
0x37: {  	[smem:$0x3FAF] =	sst s10  }
0x38: {  	s10 =	sld [smem:$0x3FB0]  }
0x39: {  	_ = 	snop;
	(pc) =	sbr.ind lr, $3  }
0x3a: {  	_ = 	snop  }
0x3b: {  	_ = 	snop  }
0x3c: {  	p2 =	seq.s32 s10, $0x1;
	s10 =	sld [smem:$0x3FAF]  }
0x3d: {  	_ =	shalt  }
0x3e: {  	_ =	shalt  }
0x3f: {  	_ =	shalt  }
0x40: {  	_ =	shalt  }
0x41: {  	_ =	shalt  }
0x42: {  	_ =	shalt  }
0x43: {  	_ =	shalt  }
0x44: {  	_ =	shalt  }
0x45: {  	_ =	shalt  }
0x46: {  	_ =	shalt  }
0x47: {  	_ =	shalt  }
0x48: {  	_ =	shalt  }
0x49: {  	_ =	shalt  }
0x4a: {  	_ =	shalt  }
0x4b: {  	_ =	shalt  }
0x4c: {  	_ =	shalt  }
0x4d: {  	_ =	shalt  }
0x4e: {  	_ =	shalt  }
0x4f: {  	_ =	shalt  }
0x50: {  	_ =	shalt  }
0x51: {  	_ =	shalt  }
0x52: {  	_ =	shalt  }
0x53: {  	_ =	shalt  }
0x54: {  	_ =	shalt  }
0x55: {  	_ =	shalt  }
0x56: {  	_ =	shalt  }
0x57: {  	_ =	shalt  }
0x58: {  	_ =	shalt  }
0x59: {  	_ =	shalt  }
0x5a: {  	_ =	shalt  }
0x5b: {  	_ =	shalt  }
0x5c: {  	_ =	shalt  }
0x5d: {  	_ =	shalt  }
0x5e: {  	_ =	shalt  }
0x5f: {  	_ =	shalt  }
0x60: {  	_ =	shalt  }
0x61: {  	_ =	shalt  }
0x62: {  	_ =	shalt  }
0x63: {  	_ =	shalt  }
0x64: {  	_ =	shalt  }
0x65: {  	_ =	shalt  }
0x66: {  	_ =	shalt  }
0x67: {  	_ =	shalt  }
0x68: {  	_ =	shalt  }
0x69: {  	_ =	shalt  }
0x6a: {  	_ =	shalt  }
0x6b: {  	_ =	shalt  }
0x6c: {  	_ =	shalt  }
0x6d: {  	_ =	shalt  }
0x6e: {  	_ =	shalt  }
0x6f: {  	_ =	shalt  }
0x70: {  	_ =	shalt  }
0x71: {  	_ =	shalt  }
0x72: {  	_ =	shalt  }
0x73: {  	_ =	shalt  }
0x74: {  	_ =	shalt  }
0x75: {  	_ =	shalt  }
0x76: {  	_ =	shalt  }
0x77: {  	_ =	shalt  }
0x78: {  	_ =	shalt  }
0x79: {  	_ =	shalt  }
0x7a: {  	_ =	shalt  }
0x7b: {  	_ =	shalt  }
0x7c: {  	_ =	shalt  }
0x7d: {  	_ =	shalt  }
0x7e: {  	_ =	shalt  }
0x7f: {  	_ =	shalt  }
0x80: {  	_ =	shalt  }
0x81: {  	_ =	shalt  }
0x82: {  	_ =	shalt  }
0x83: {  	_ =	shalt  }
0x84: {  	_ =	shalt  }
0x85: {  	_ =	shalt  }
0x86: {  	_ =	shalt  }
0x87: {  	_ =	shalt  }
.Lfunc_end0:
.L_simem_size_0:
called_computation_lowered:
.L_overlay_start_0:
0x88: {  	s2 =	sld [smem:$0x3FD9]  }
0x89: {  	s3 =	sld [smem:$0x3FFE];
	_ =	sdelay $0x1  }
0x8a: {  	s1 =	srdreg.scid  }
0x8b: {  	s0 =	sand.u32 $0x1, s1  }
0x8c: {  	s17 =	sshll.u32 s0, $0xA;
	s2 =	sadd.s32 s3, s2  }
0x8d: {  	s2 =	sadd.s32 s2, s17  }
0x8e: {  	[smem:$0x3FBB] =	sst s2  }
0x8f: {  	_ = 	snop  }
0x90: {  	s2 =	sld [smem:$0x3FC7]  }
0x91: {  	s18 =	sld [smem:$0x3FD0];
	(tm) =	ssettm $0x1  }
0x92: {  	s4 =	sld [smem:$0x3FFB];
	_ =	sdelay $0x3  }
0x93: {  	_ =	strace s4  }
0x94: {  	s4 =	sld [smem:$0x3FFC];
	_ =	sdelay $0x3  }
0x95: {  	_ =	strace s4  }
0x96: {  	s4 =	sld [smem:$0x3FFD];
	_ =	sdelay $0x3  }
0x97: {  	_ =	strace s4  }
0x98: {  	_ =	strace $0x8FFFFFFF  }
0x99: {  	s19 =	sld [smem:$0x3FDB];
	_ =	sdelay $0x1  }
0x9a: {  	s5 =	simm.s32 $_scs_section_size  }
0x9b: {  	s6 =	simm.s32 $_size__tile_overlayer_lowered;
	s7 =	simm.s32 $_tile_overlayer_lowered  }
0x9c: {  	s22 =	simm.s32 $0x1BFF;
	s21 =	sshll.u32 s7, $0x1;
	s4 =	sadd.s32 s5, s19  }
0x9d: {  	s8 =	simm.s32 $0x0;
	s20 =	sshll.u32 s6, $0x1;
	s6 =	sadd.s32 s21, s4  }
0x9e: {  	[timem:s8], [sflag:s22] =	dma.local [hbm:s6], s20  }
0x9f: {  	_ =	swait.ge [sflag:s22], s20  }
0xa0: {  	s5 =	ssub.s32 $0x0, s20;
	[sflag:s22] =	ssyncset.done $0x0  }
0xa1: {  	[sflag:s22] =	ssyncadd.s32 s5;
	_ =	sdelay $0x1  }
0xa2: {  	s23 =	simm.s32 $0x1B8B  }
0xa3: {  	_ =	swait.ge [sflag:s23], $0x1  }
0xa4: {  	[sflag:s23] =	ssyncset.done $0x0  }
0xa5: {  	s25 =	simm.s32 $0x1B8E;
	s24 =	sld [smem:$0x3FFE];
	[sflag:s23] =	ssyncadd.s32 $0xFFFFFFFF  }
0xa6: {  	s26 =	simm.s32 $execute0_lowered;
	[smem:$0x3FD2] =	sst s25  }
0xa7: {  	s6 =	sshll.u32 s26, $0x1;
	_ =	strace $0x80000046;
	[dreg:$0x1] =	wrdreg $0xFFFFFFFF  }
0xa8: {  	s28 =	simm.s32 $_size_execute0_lowered;
	s4 =	sadd.s32 s4, s6;
	[dreg:$0x0] =	wrdreg $0x0  }
0xa9: {  	s6 =	sshll.u32 s28, $0x1;
	[dreg:$0x2] =	wrdreg s4  }
0xaa: {  	[dreg:$0x3] =	wrdreg s6  }
0xab: {  	[dreg:$0x4] =	wrdreg $0xC0  }
0xac: {  	_ =	task [dreg:s8], $0x5FFFF  }
0xad: {  	[dreg:$0x1] =	wrdreg $0xFFFFFFFF  }
0xae: {  	[dreg:$0x0] =	wrdreg $0x60  }
0xaf: {  	[dreg:$0x2] =	wrdreg s24  }
0xb0: {  	[dreg:$0x3] =	wrdreg s2  }
0xb1: {  	[dreg:$0x4] =	wrdreg s18  }
0xb2: {  	[dreg:$0x5] =	wrdreg $0x9  }
0xb3: {  	_ =	task.clear_ibuf [dreg:s8], $0x6FFFF;
	_ =	strace $0x90000046  }
0xb4: {  	s29 =	simm.s32 $0x9;
	_ =	strace $0x80000048  }
0xb5: {  	_ =	swait.ge [sflag:s29], $0x1  }
0xb6: {  	[sflag:s29] =	ssyncadd.s32 $0xFFFFFFFF  }
0xb7: {  	_ =	strace $0x90000048  }
0xb8: {  	_ =	sfence  }
0xb9: {  	s30 =	sld [smem:$0x0];
	_ =	sdelay $0x2  }
0xba: {  	s31 =	sshll.u32 s1, $0xD;
	s1 =	sshrl.u32 s1, $0x2  }
0xbb: {  	s3 =	sand.u32 $0x4000, s31;
	s1 =	sadd.s32 s1, s30  }
0xbc: {  	s0 =	sor.u32 s3, s0;
	s1 =	sshll.u32 s1, $0x11  }
0xbd: {  	s0 =	sor.u32 s1, s0  }
0xbe: {  	s0 =	sadd.s32 $0x8F2B, s0  }
0xbf: {  	[sflag:s0] =	ssyncadd.remote.s32 $0x1  }
0xc0: {  	_ =	sfence.sel $0xFFFF  }
0xc1: {  	[dreg:$0x0] =	wrdreg $0xFFFFFFFF;
	(pc) =	sbr.abs _section_cstart, $3  }
0xc2: {  	[dreg:$0x1] =	wrdreg $0xFFFFFFFF  }
0xc3: {  	_ =	task.clear_ibuf [dreg:s8], $0x2FFFF;
	_ =	strace $0x9FFFFFFF  }
0xc4: {  	(tm) =	ssettm $0x7FFFFFFF  }
0xc5: {  	_ =	shalt  }
tec
execute0_lowered:
.L_overlay_start_1:
0x0: {  	(tag) =	ssettag $0x1  }
0x1: {  	s6 =	rddreg [dreg:$0x0]  }
0x2: {  	s2 =	rddreg [dreg:$0x1];
	s1 =	srdreg.scid  }
0x3: {  	s0 =	stileid.u32;
	s3 =	rddreg [dreg:$0x2]  }
0x4: {  	s13 =	simm.s32 $0x80;
	s14 =	simm.s32 $0x400;
	s15 =	simm.s32 $0x3  }
0x5: {  	s16 =	simm.s32 $0x2;
	s18 =	simm.s32 $0x4F00;
	s19 =	simm.s32 $0x7A80  }
0x6: {  	s20 =	simm.s32 $0x0;
	s9 =	sand.u32 $0x1, s1;
	s4 =	sshll.u32 s0, $0x1  }
0x7: {  	s1 =	rddreg [dreg:$0x3];
	s7 =	sshrl.u32 s0, $0x2;
	s5 =	sor.u32 s9, s4  }
0x8: {  	s4 =	simm.s32 $0x0;
	s10 =	smul.u32 $0x13C00, s7;
	s7 =	sshll.u32 s7, $0xD  }
0x9: {  	s30 =	ssub.s32 $0x2, s9;
	s17 =	sor.u32 s0, s9;
	s8 =	sshll.u32 s5, $0x7  }
0xa: {  	[smem:$0x7FF] =	sst s4;
	s5 =	smul.u32 $0x4E2, s5;
	s31 =	sshrl.u32 s30, $0x1  }
0xb: {  	p0 =	sne.s32 s17, $0x0;
	s17 =	simm.s32 $0x7E80;
	s8 =	sand.u32 $0x380, s8  }
0xc: {  	_ =	strace $0x80000047;
	s10 =	sor.u32 s10, s8;
	s11 =	sadd.s32 s5, s6  }
.Ltmp0:
0xd: {  	s7 =	sor.u32 s7, s8;
	s5 =	sadd.s32 $0x21400, s6;
	(pc) =	sbr.rel .LBB2_1-.Ltmp0, $4  }
0xe: {  	s28 =	sshrl.u32 s10, $0x3;
	s7 =	sshrl.u32 s7, $0x3;
	s10 =	ssub.s32 s30, s31  }
0xf: {  	s29 =	sadd.s32 s28, s6;
	s12 =	sadd.s32 s7, s6;
	s6 =	sadd.s32 $0x2A00, s11  }
0x10: {  	v0 =	vimm.f32 $0.0e+00;
	s9 =	smax.u32 s10, $0x1;
	s10 =	simm.s32 $0x7680;
	s11 =	simm.s32 $0x1  }
0x11: {  	v1 =	vimm.f32 $1.000000000e+00;
	v2 =	vimm.s32 $0xFFFFFFFF;
	v3 =	vlaneseq.u32;
	s7 =	sadd.s32 $0x16600, s29;
	s8 =	sadd.s32 $0x20400, s12;
	s12 =	simm.s32 $0x2780  }
.LBB2_13:
0x12: {  	v5 =	vld [tilespmem:s22+$0x7680];
	_ =	sdelay $0x6  }
0x13: {  	[tilespmem:s21+$0x7A80] =	vst v4  }
0x14: {  	v4 =	vld.idx.msk [tilespmem:v5+s18+$0x0], $0xffff;
	_ =	sdelay $0x4  }
0x15: {  	[tilespmem:s22+$0x7A80] =	vst v4  }
0x16: {  	[hbm4b:s3+s4] =	stream.linear.scatter [tilespmem:s18], [sflag:$0x3], $0x2780, $0x38;
	[tilespmem:$0x8280] =	vst v63  }
0x17: {  	_ =	swait.ge [sflag:s15], $0x2780  }
0x18: {  	[sflag:s15] =	ssyncset.done $0x0  }
0x19: {  	[sflag:s15] =	ssyncadd.s32 $0xFFFFD880  }
0x1a: {  	[hbm4b:s5+s4] =	stream.linear.scatter [tilespmem:s19], [sflag:$0x3], $0x400, $0x38;
	[tilespmem:$0x8280] =	vst v63  }
0x1b: {  	_ =	swait.ge [sflag:s15], $0x400  }
0x1c: {  	[sflag:s15] =	ssyncset.done $0x0  }
0x1d: {  	[sflag:s15] =	ssyncadd.s32 $0xFFFFFC00  }
.LBB2_14:
0x1e: {  	s20 =	sadd.s32 $0x1, s20  }
0x1f: {  	p1 =	sne.s32 s20, s9  }
.Ltmp1:
0x20: {  	_ = 	snop;
	(pc) =	sbr.rel @!p1 .LBB2_15-.Ltmp1, $1  }
0x21: {  	_ =	sdelay $0x3  }
.LBB2_1:
0x22: {  	[tilespmem:s4], [sflag:$0x1] =	stream.linear.gather [hbm4b:s6+s4], $0x2710, $0x38;
	[tilespmem:$0x8280] =	vst v63  }
0x23: {  	s21 =	simm.s32 $0x40;
	s22 =	simm.s32 $0x0  }
0x24: {  	[tilespmem:s10], [sflag:$0x2] =	stream.linear.gather [hbm4b:s2+s4], $0x400, $0x38;
	[tilespmem:$0x8280] =	vst v63  }
.LBB2_2:
0x25: {  	p1 =	sne.s32 s21, $0x9C00;
	[tilespmem:s22+$0x2780] =	vst v0;
	s22 =	smov.u32 s21;
	s21 =	sadd.s32 $0x40, s21  }
.Ltmp2:
0x26: {  	(pc) =	sbr.rel @p1 .LBB2_2-.Ltmp2, $2  }
0x27: {  	_ =	sdelay $0x2  }
0x28: {  	s22 =	sshra.s32 s22, $0x2  }
0x29: {  	[tilespmem:s22+$0x2780] =	vst v0  }
0x2a: {  	_ =	swait.ge [sflag:s11], $0x2710  }
0x2b: {  	[sflag:s11] =	ssyncset.done $0x0  }
0x2c: {  	s22 =	simm.s32 $0x0;
	s21 =	simm.s32 $0x40;
	[sflag:s11] =	ssyncadd.s32 $0xFFFFD8F0  }
.LBB2_4:
0x2d: {  	p1 =	sne.s32 s21, $0x9C00;
	v4 =	vld [tilespmem:s22+$0x0];
	_ =	sdelay $0x3  }
.Ltmp3:
0x2e: {  	(pc) =	sbr.rel @p1 .LBB2_4-.Ltmp3, $2  }
0x2f: {  	_ =	sdelay $0x2  }
0x30: {  	s22 =	sshra.s32 s21, $0x2;
	s21 =	sadd.s32 $0x40, s21;
	[tilespmem:v4+s12+$0x0] =	vst.idx.add.f32.msk $0xffff, v1  }
0x31: {  	v4 =	vld [tilespmem:s22+$0x0];
	_ =	sdelay $0x7  }
0x32: {  	[tilespmem:v4+s12+$0x0] =	vst.idx.add.f32.msk $0xffff, v1  }
0x33: {  	[hbm4b:s7+s13] =	stream.strided.scatter [tilespmem:s12], [sflag:$0x3], $0x2780, s14, s13, $0x38;
	[tilespmem:$0x8280] =	vst v63  }
0x34: {  	_ =	swait.ge [sflag:s15], $0x2780  }
0x35: {  	[sflag:s15] =	ssyncset.done $0x0  }
0x36: {  	[sflag:s15] =	ssyncadd.s32 $0xFFFFD880  }
0x37: {  	_ =	swait.ge [sflag:s16], $0x400  }
0x38: {  	[sflag:s16] =	ssyncset.done $0x0  }
0x39: {  	s21 =	simm.s32 $0x0;
	[sflag:s16] =	ssyncadd.s32 $0xFFFFFC00  }
0x3a: {  	v4 =	vld [tilespmem:s21+$0x7680];
	_ =	sdelay $0x7  }
0x3b: {  	s22 =	simm.s32 $0x10;
	s23 =	simm.s32 $0x80;
	v4 =	vld.idx.msk [tilespmem:v4+s12+$0x0], $0xffff  }
.LBB2_6:
0x3c: {  	p1 =	sne.s32 s23, $0xFC0;
	v5 =	vld [tilespmem:s22+$0x7680];
	_ =	sdelay $0x3  }
.Ltmp4:
0x3d: {  	(pc) =	sbr.rel @p1 .LBB2_6-.Ltmp4, $2  }
0x3e: {  	[tilespmem:s21+$0x7E80] =	vst v4;
	s21 =	smov.u32 s22;
	_ =	sdelay $0x2  }
0x3f: {  	s22 =	sshra.s32 s23, $0x2;
	s23 =	sadd.s32 $0x40, s23;
	v4 =	vld.idx.msk [tilespmem:v5+s12+$0x0], $0xffff  }
0x40: {  	v5 =	vld [tilespmem:s22+$0x7680];
	_ =	sdelay $0x6  }
0x41: {  	[tilespmem:s21+$0x7E80] =	vst v4  }
0x42: {  	v4 =	vld.idx.msk [tilespmem:v5+s12+$0x0], $0xffff;
	_ =	sdelay $0x4  }
.Ltmp5:
0x43: {  	[tilespmem:s22+$0x7E80] =	vst v4;
	(pc) =	sbr.rel @p0 .LBB2_14-.Ltmp5, $4  }
0x44: {  	[hbm4b:s8+s13] =	stream.strided.scatter [tilespmem:s17], [sflag:$0x3], $0x400, s14, s13, $0x38;
	[tilespmem:$0x8280] =	vst v63  }
0x45: {  	_ =	swait.ge [sflag:s15], $0x400  }
0x46: {  	[sflag:s15] =	ssyncset.done $0x0  }
0x47: {  	s21 =	simm.s32 $0x0;
	s22 =	simm.s32 $0x0;
	[sflag:s15] =	ssyncadd.s32 $0xFFFFFC00  }
.LBB2_8:
0x48: {  	p1 =	sne.s32 s22, $0x9C00  }
.Ltmp6:
0x49: {  	_ = 	snop;
	(pc) =	sbr.rel @p1 .LBB2_8-.Ltmp6, $3  }
0x4a: {  	_ =	sdelay $0x1  }
0x4b: {  	s23 =	sshra.s32 s22, $0x2  }
0x4c: {  	s22 =	sadd.s32 $0x40, s22;
	[tilespmem:s23+$0x4F00] =	vst v2  }
0x4d: {  	s22 =	simm.s32 $0x7680  }
.LBB2_10:
0x4e: {  	v4 =	vld [tilespmem:s22+$0x0];
	_ =	sdelay $0x2  }
0x4f: {  	p1 =	sne.s32 s21, $0x3F0  }
.Ltmp7:
0x50: {  	_ = 	snop;
	(pc) =	sbr.rel @p1 .LBB2_10-.Ltmp7, $3  }
0x51: {  	_ =	sdelay $0x1  }
0x52: {  	v5 =	vor.u32 s21, v3  }
0x53: {  	s22 =	sadd.s32 $0x10, s22;
	s21 =	sadd.s32 $0x10, s21;
	[tilespmem:v4+s18+$0x0] =	vst.idx.msk $0xffff, v5  }
0x54: {  	s21 =	simm.s32 $0x0  }
0x55: {  	v4 =	vld [tilespmem:s21+$0x7680];
	_ =	sdelay $0x7  }
0x56: {  	s22 =	simm.s32 $0x10;
	s23 =	simm.s32 $0x80;
	v4 =	vld.idx.msk [tilespmem:v4+s18+$0x0], $0xffff  }
.LBB2_12:
0x57: {  	p1 =	sne.s32 s23, $0xFC0;
	v5 =	vld [tilespmem:s22+$0x7680];
	_ =	sdelay $0x3  }
.Ltmp8:
0x58: {  	(pc) =	sbr.rel @p1 .LBB2_12-.Ltmp8, $2  }
0x59: {  	[tilespmem:s21+$0x7A80] =	vst v4;
	s21 =	smov.u32 s22;
	_ =	sdelay $0x2  }
0x5a: {  	s22 =	sshra.s32 s23, $0x2;
	s23 =	sadd.s32 $0x40, s23;
	v4 =	vld.idx.msk [tilespmem:v5+s18+$0x0], $0xffff  }
.Ltmp9:
0x5b: {  	_ = 	snop;
	(pc) =	sbr.rel .LBB2_13-.Ltmp9, $1  }
0x5c: {  	_ =	sdelay $0x3  }
.LBB2_15:
0x5d: {  	_ =	sfence.sel $0x180000  }
0x5e: {  	[bflag:$0x0] =	sbarrier.arrive $0xFFFF  }
0x5f: {  	p0 =	sne.s32 s0, $0x0;
	_ =	strace $0x90000047  }
0x60: {  	s0 =	sadd.s32 @!p0 $0x100000, s1;
	[bflag:$0x2] =	sbarrier.arrive $0xFFFF  }
0x61: {  	[sflag:s0] =	ssyncadd.tile.s32 @!p0 $0x1;
	_ =	shalt  }
.Lfunc_end2:
_tile_overlayer_lowered:
.L_overlay_start_2:
0x62: {  	(tag) =	ssettag $0x2  }
0x63: {  	s0 =	rddreg [dreg:$0x0];
	s2 =	stileid.u32  }
0x64: {  	s1 =	rddreg [dreg:$0x1];
	p0 =	sne.s32 s2, $0x0  }
0x65: {  	s3 =	rddreg [dreg:$0x2];
	[bflag:$0x3] =	sbarrier.arrive $0xFFFF;
	s2 =	simm.s32 @!p0 $0x1C03  }
0x66: {  	[timem:s3], [sflag:s2] =	dma.local @!p0 [hbm:s0], s1  }
0x67: {  	s0 =	simm.s32 @!p0 $0x3  }
0x68: {  	_ =	swait.ge @!p0 [sflag:s0], s1  }
0x69: {  	s1 =	ssub.s32 @!p0 $0x0, s1;
	[sflag:s0] =	ssyncset.done @!p0 $0x0  }
0x6a: {  	[sflag:s0] =	ssyncadd.s32 @!p0 s1  }
0x6b: {  	[bflag:$0x3] =	sbarrier.arrive $0xFFFF  }
0x6c: {  	_ =	shalt  }

// kernel: kernel.9.cloned.1.call-start
scs
__scs_entry_jumppad:
0x0: {  	(pc) =	sbr.rel $0x88, $3  }
0x1: {  	(tag) =	ssettag $0x0;
	lr =	simm.s32 $0x1  }
0x2: {  	[smem:$0x3F94] =	sst lr;
	_ =	strace $0xD0000000  }
0x3: {  	_ = 	snop  }
0x4: {  	_ = 	snop  }
0x5: {  	_ = 	snop  }
0x6: {  	_ = 	snop  }
0x7: {  	_ = 	snop  }
__scs_overlays_trampoline_lowered:
0x8: {  	[smem:$0x3FA3] =	sst s0  }
0x9: {  	[smem:$0x3FA4] =	sst s1  }
0xa: {  	[smem:$0x3FA5] =	sst s2  }
0xb: {  	[smem:$0x3FA6] =	sst s3  }
0xc: {  	[smem:$0x3FA7] =	sst s4  }
0xd: {  	[smem:$0x3FA8] =	sst s5  }
0xe: {  	[smem:$0x3FA9] =	sst s6  }
0xf: {  	[smem:$0x3FAA] =	sst s7  }
0x10: {  	[smem:$0x3FAB] =	sst s8  }
0x11: {  	[smem:$0x3FAC] =	sst s9;
	s0 =	simm.s32 @!p0 $0x0  }
0x12: {  	s1 =	sld [smem:$0x3F92];
	s0 =	simm.s32 @p0 $0x1  }
0x13: {  	[smem:$0x3FAD] =	sst s0;
	s0 =	simm.s32 @!p1 $0x0  }
0x14: {  	s2 =	sld [smem:$0x3F91];
	s0 =	simm.s32 @p1 $0x1  }
0x15: {  	[smem:$0x3FAE] =	sst s0;
	s0 =	simm.s32 @!p2 $0x0  }
0x16: {  	s3 =	sld [smem:$0x3FDB];
	s0 =	simm.s32 @p2 $0x1  }
0x17: {  	s4 =	simm.s32 $0x1BF5;
	[smem:$0x3FB0] =	sst s0  }
0x18: {  	s0 =	sld [smem:$0x3F93];
	_ =	swait.ge [sflag:s4], $0x0  }
0x19: {  	s7 =	sld [smem:$0x3F94]  }
0x1a: {  	s8 =	sadd.s32 $0xFFFFE003, lr  }
0x1b: {  	s9 =	sadd.s32 $0xFFFFFEF7, lr;
	s5 =	simm.s32 $0xFFFFFFFF;
	p2 =	slt.u32 s8, $0xFFFFF086  }
0x1c: {  	p1 =	slt.u32 s9, $0xF7A;
	s5 =	simm.s32 @!p2 $0x0  }
0x1d: {  	s5 =	simm.s32 @p1 $0x1;
	p0 =	seq.s32 s7, s2  }
0x1e: {  	s7 =	smul.u32 @!p0 $0xF7A, s2;
	p2 =	seq.s32 @!p0 s5, $0x0  }
0x1f: {  	s9 =	smul.u32 $0xF7A, s1;
	s8 =	simm.s32 @!p0 $0x1BF5;
	p2 =	por !p2, p0  }
0x20: {  	[sflag:s8] =	ssyncset.s32 @!p0 $0xFFFFF086;
	s6 =	sadd.s32 @!p0 s3, s7;
	s7 =	simm.s32 @!p0 $0x108  }
0x21: {  	s3 =	sadd.s32 s3, s9;
	s6 =	sadd.s32 @!p0 $0x88, s6;
	s7 =	simm.s32 @p2 $0x1082  }
0x22: {  	[simem:s7], [sflag:s8] =	dma.local @!p0 [hbm:s6], $0xF7A  }
0x23: {  	s9 =	sor.u32 $0xD0000000, s2;
	s6 =	simm.s32 $0x108;
	_ =	swait.ge @!p0 [sflag:s8], $0x0  }
0x24: {  	s3 =	sadd.s32 $0x88, s3;
	s6 =	simm.s32 @!p1 $0x1082;
	[sflag:s4] =	ssyncset.s32 $0xFFFFF086  }
0x25: {  	[simem:s6], [sflag:s4] =	dma.local [hbm:s3], $0xF7A  }
0x26: {  	[smem:$0x3F94] =	sst s1;
	(tag) =	ssettag s2;
	_ =	strace s9  }
0x27: {  	s1 =	sld [smem:$0x3FA4]  }
0x28: {  	s2 =	sld [smem:$0x3FA5]  }
0x29: {  	s4 =	sld [smem:$0x3FA7]  }
0x2a: {  	p0 =	seq.s32 s5, $0x0;
	s5 =	sld [smem:$0x3FA8]  }
0x2b: {  	s6 =	sld [smem:$0x3FA9]  }
0x2c: {  	s7 =	sld [smem:$0x3FAA]  }
0x2d: {  	s3 =	simm.s32 $0x108;
	s8 =	sld [smem:$0x3FAB]  }
0x2e: {  	s3 =	simm.s32 @!p0 $0x1082;
	s9 =	sld [smem:$0x3FAC]  }
0x2f: {  	lr =	sadd.s32 s0, s3;
	s0 =	sld [smem:$0x3FA3]  }
0x30: {  	s3 =	sld [smem:$0x3FA6]  }
0x31: {  	[smem:$0x3FAF] =	sst s10  }
0x32: {  	s10 =	sld [smem:$0x3FAD];
	_ =	sdelay $0x3  }
0x33: {  	p0 =	seq.s32 s10, $0x1;
	s10 =	sld [smem:$0x3FAF];
	_ =	sdelay $0x3  }
0x34: {  	[smem:$0x3FAF] =	sst s10  }
0x35: {  	s10 =	sld [smem:$0x3FAE];
	_ =	sdelay $0x3  }
0x36: {  	p1 =	seq.s32 s10, $0x1;
	s10 =	sld [smem:$0x3FAF];
	_ =	sdelay $0x3  }
0x37: {  	[smem:$0x3FAF] =	sst s10  }
0x38: {  	s10 =	sld [smem:$0x3FB0]  }
0x39: {  	_ = 	snop;
	(pc) =	sbr.ind lr, $3  }
0x3a: {  	_ = 	snop  }
0x3b: {  	_ = 	snop  }
0x3c: {  	p2 =	seq.s32 s10, $0x1;
	s10 =	sld [smem:$0x3FAF]  }
0x3d: {  	_ =	shalt  }
0x3e: {  	_ =	shalt  }
0x3f: {  	_ =	shalt  }
0x40: {  	_ =	shalt  }
0x41: {  	_ =	shalt  }
0x42: {  	_ =	shalt  }
0x43: {  	_ =	shalt  }
0x44: {  	_ =	shalt  }
0x45: {  	_ =	shalt  }
0x46: {  	_ =	shalt  }
0x47: {  	_ =	shalt  }
0x48: {  	_ =	shalt  }
0x49: {  	_ =	shalt  }
0x4a: {  	_ =	shalt  }
0x4b: {  	_ =	shalt  }
0x4c: {  	_ =	shalt  }
0x4d: {  	_ =	shalt  }
0x4e: {  	_ =	shalt  }
0x4f: {  	_ =	shalt  }
0x50: {  	_ =	shalt  }
0x51: {  	_ =	shalt  }
0x52: {  	_ =	shalt  }
0x53: {  	_ =	shalt  }
0x54: {  	_ =	shalt  }
0x55: {  	_ =	shalt  }
0x56: {  	_ =	shalt  }
0x57: {  	_ =	shalt  }
0x58: {  	_ =	shalt  }
0x59: {  	_ =	shalt  }
0x5a: {  	_ =	shalt  }
0x5b: {  	_ =	shalt  }
0x5c: {  	_ =	shalt  }
0x5d: {  	_ =	shalt  }
0x5e: {  	_ =	shalt  }
0x5f: {  	_ =	shalt  }
0x60: {  	_ =	shalt  }
0x61: {  	_ =	shalt  }
0x62: {  	_ =	shalt  }
0x63: {  	_ =	shalt  }
0x64: {  	_ =	shalt  }
0x65: {  	_ =	shalt  }
0x66: {  	_ =	shalt  }
0x67: {  	_ =	shalt  }
0x68: {  	_ =	shalt  }
0x69: {  	_ =	shalt  }
0x6a: {  	_ =	shalt  }
0x6b: {  	_ =	shalt  }
0x6c: {  	_ =	shalt  }
0x6d: {  	_ =	shalt  }
0x6e: {  	_ =	shalt  }
0x6f: {  	_ =	shalt  }
0x70: {  	_ =	shalt  }
0x71: {  	_ =	shalt  }
0x72: {  	_ =	shalt  }
0x73: {  	_ =	shalt  }
0x74: {  	_ =	shalt  }
0x75: {  	_ =	shalt  }
0x76: {  	_ =	shalt  }
0x77: {  	_ =	shalt  }
0x78: {  	_ =	shalt  }
0x79: {  	_ =	shalt  }
0x7a: {  	_ =	shalt  }
0x7b: {  	_ =	shalt  }
0x7c: {  	_ =	shalt  }
0x7d: {  	_ =	shalt  }
0x7e: {  	_ =	shalt  }
0x7f: {  	_ =	shalt  }
0x80: {  	_ =	shalt  }
0x81: {  	_ =	shalt  }
0x82: {  	_ =	shalt  }
0x83: {  	_ =	shalt  }
0x84: {  	_ =	shalt  }
0x85: {  	_ =	shalt  }
0x86: {  	_ =	shalt  }
0x87: {  	_ =	shalt  }
.Lfunc_end0:
.L_simem_size_0:
called_computation.1_lowered:
.L_overlay_start_0:
0x88: {  	s2 =	sld [smem:$0x3FD9]  }
0x89: {  	s3 =	sld [smem:$0x3FFE];
	_ =	sdelay $0x1  }
0x8a: {  	s1 =	srdreg.scid  }
0x8b: {  	s0 =	sand.u32 $0x1, s1  }
0x8c: {  	s17 =	sshll.u32 s0, $0xA;
	s2 =	sadd.s32 s3, s2  }
0x8d: {  	s2 =	sadd.s32 s2, s17  }
0x8e: {  	[smem:$0x3FBB] =	sst s2  }
0x8f: {  	_ = 	snop  }
0x90: {  	s2 =	sld [smem:$0x3FC7]  }
0x91: {  	s18 =	sld [smem:$0x3FD0];
	(tm) =	ssettm $0x1  }
0x92: {  	s4 =	sld [smem:$0x3FFB];
	_ =	sdelay $0x3  }
0x93: {  	_ =	strace s4  }
0x94: {  	s4 =	sld [smem:$0x3FFC];
	_ =	sdelay $0x3  }
0x95: {  	_ =	strace s4  }
0x96: {  	s4 =	sld [smem:$0x3FFD];
	_ =	sdelay $0x3  }
0x97: {  	_ =	strace s4  }
0x98: {  	_ =	strace $0x8FFFFFFF  }
0x99: {  	s19 =	sld [smem:$0x3FDB];
	_ =	sdelay $0x1  }
0x9a: {  	s5 =	simm.s32 $_scs_section_size  }
0x9b: {  	s6 =	simm.s32 $_size__tile_overlayer_lowered;
	s7 =	simm.s32 $_tile_overlayer_lowered  }
0x9c: {  	s22 =	simm.s32 $0x1BFF;
	s21 =	sshll.u32 s7, $0x1;
	s4 =	sadd.s32 s5, s19  }
0x9d: {  	s8 =	simm.s32 $0x0;
	s20 =	sshll.u32 s6, $0x1;
	s6 =	sadd.s32 s21, s4  }
0x9e: {  	[timem:s8], [sflag:s22] =	dma.local [hbm:s6], s20  }
0x9f: {  	_ =	swait.ge [sflag:s22], s20  }
0xa0: {  	s5 =	ssub.s32 $0x0, s20;
	[sflag:s22] =	ssyncset.done $0x0  }
0xa1: {  	[sflag:s22] =	ssyncadd.s32 s5;
	_ =	sdelay $0x1  }
0xa2: {  	s23 =	simm.s32 $0x1B8B  }
0xa3: {  	_ =	swait.ge [sflag:s23], $0x1  }
0xa4: {  	[sflag:s23] =	ssyncset.done $0x0  }
0xa5: {  	s25 =	simm.s32 $0x1B8E;
	s24 =	sld [smem:$0x3FFE];
	[sflag:s23] =	ssyncadd.s32 $0xFFFFFFFF  }
0xa6: {  	s26 =	simm.s32 $execute0_lowered;
	[smem:$0x3FD2] =	sst s25  }
0xa7: {  	s6 =	sshll.u32 s26, $0x1;
	_ =	strace $0x80000049;
	[dreg:$0x1] =	wrdreg $0xFFFFFFFF  }
0xa8: {  	s28 =	simm.s32 $_size_execute0_lowered;
	s4 =	sadd.s32 s4, s6;
	[dreg:$0x0] =	wrdreg $0x0  }
0xa9: {  	s6 =	sshll.u32 s28, $0x1;
	[dreg:$0x2] =	wrdreg s4  }
0xaa: {  	[dreg:$0x3] =	wrdreg s6  }
0xab: {  	[dreg:$0x4] =	wrdreg $0xC0  }
0xac: {  	_ =	task [dreg:s8], $0x5FFFF  }
0xad: {  	[dreg:$0x1] =	wrdreg $0xFFFFFFFF  }
0xae: {  	[dreg:$0x0] =	wrdreg $0x60  }
0xaf: {  	[dreg:$0x2] =	wrdreg s24  }
0xb0: {  	[dreg:$0x3] =	wrdreg s18  }
0xb1: {  	[dreg:$0x4] =	wrdreg s2  }
0xb2: {  	[dreg:$0x5] =	wrdreg $0x19C000  }
0xb3: {  	[dreg:$0x6] =	wrdreg $0x9  }
0xb4: {  	_ =	task.clear_ibuf [dreg:s8], $0x7FFFF;
	_ =	strace $0x90000049  }
0xb5: {  	s29 =	simm.s32 $0x9;
	_ =	strace $0x8000004B  }
0xb6: {  	_ =	swait.ge [sflag:s29], $0x1  }
0xb7: {  	[sflag:s29] =	ssyncadd.s32 $0xFFFFFFFF  }
0xb8: {  	_ =	strace $0x9000004B  }
0xb9: {  	_ =	sfence  }
0xba: {  	s30 =	sld [smem:$0x0];
	_ =	sdelay $0x2  }
0xbb: {  	s31 =	sshll.u32 s1, $0xD;
	s1 =	sshrl.u32 s1, $0x2  }
0xbc: {  	s3 =	sand.u32 $0x4000, s31;
	s1 =	sadd.s32 s1, s30  }
0xbd: {  	s0 =	sor.u32 s3, s0;
	s1 =	sshll.u32 s1, $0x11  }
0xbe: {  	s0 =	sor.u32 s1, s0  }
0xbf: {  	s0 =	sadd.s32 $0x8F2B, s0  }
0xc0: {  	[sflag:s0] =	ssyncadd.remote.s32 $0x1  }
0xc1: {  	_ =	sfence.sel $0xFFFF  }
0xc2: {  	[dreg:$0x0] =	wrdreg $0xFFFFFFFF;
	(pc) =	sbr.abs _section_cstart, $3  }
0xc3: {  	[dreg:$0x1] =	wrdreg $0xFFFFFFFF  }
0xc4: {  	_ =	task.clear_ibuf [dreg:s8], $0x2FFFF;
	_ =	strace $0x9FFFFFFF  }
0xc5: {  	(tm) =	ssettm $0x7FFFFFFF  }
tec
execute0_lowered:
.L_overlay_start_1:
0x0: {  	(tag) =	ssettag $0x1  }
0x1: {  	s0 =	rddreg [dreg:$0x0]  }
0x2: {  	s1 =	rddreg [dreg:$0x2]  }
0x3: {  	s2 =	srdreg.scid;
	s3 =	rddreg [dreg:$0x3]  }
0x4: {  	s10 =	stileid.u32;
	s4 =	simm.s32 $0x0;
	s14 =	simm.s32 $0x4F00  }
0x5: {  	s15 =	simm.s32 $0xCB80;
	s16 =	simm.s32 $0x7;
	s17 =	simm.s32 $0x1  }
0x6: {  	s18 =	simm.s32 $0x2;
	s19 =	simm.s32 $0x3;
	s20 =	simm.s32 $0x80  }
0x7: {  	s28 =	simm.s32 $0xC980;
	s29 =	simm.s32 $0x5;
	s30 =	simm.s32 $0xCA00  }
0x8: {  	s31 =	simm.s32 $0x6;
	s2 =	sand.u32 $0x1, s2;
	s21 =	smul.u32 $0x2400, s10  }
0x9: {  	s5 =	sshll.u32 s10, $0x1;
	[smem:$0x7FF] =	sst s4;
	s10 =	smul.u32 $0x9000, s10  }
0xa: {  	s6 =	smul.u32 $0x24000, s2;
	s7 =	sor.u32 s2, s5;
	_ =	strace $0x8000004A  }
0xb: {  	s5 =	sadd.s32 $0x21600, s0;
	s2 =	ssub.s32 $0x2, s2;
	s8 =	smul.u32 $0x4E2, s7  }
0xc: {  	s9 =	sshll.u32 s7, $0x9;
	s22 =	sshrl.u32 s2, $0x1;
	s24 =	sshrl.u32 s10, $0x2  }
0xd: {  	s7 =	sshll.u32 s7, $0x2;
	s6 =	sadd.s32 s21, s6;
	s2 =	ssub.s32 s2, s22  }
0xe: {  	s1 =	sadd.s32 s1, s7;
	s8 =	sadd.s32 s8, s0;
	s6 =	sshrl.u32 s6, $0x3  }
0xf: {  	[dreg:$0x7] =	wrdreg s1;
	s26 =	smax.u32 s2, $0x1;
	s2 =	simm.s32 $0x0  }
0x10: {  	s6 =	sadd.s32 s6, s0;
	s23 =	sadd.s32 $0xC800, s8;
	[dreg:$0xa] =	wrdreg s26  }
.Ltmp0:
0x11: {  	s8 =	sadd.s32 $0x2A00, s8;
	[dreg:$0x5] =	wrdreg s23;
	(pc) =	sbr.rel .LBB2_1-.Ltmp0, $4  }
0x12: {  	s0 =	sadd.s32 s9, s0;
	s26 =	simm.s32 $0x4;
	[dreg:$0x6] =	wrdreg s8  }
0x13: {  	s8 =	sadd.s32 s24, s3;
	s0 =	sadd.s32 $0x48800, s0;
	s25 =	sadd.s32 $0x16600, s6  }
0x14: {  	s23 =	simm.s32 $0x10B80;
	s24 =	simm.s32 $0x18C00;
	[dreg:$0x8] =	wrdreg s0  }
0x15: {  	v0 =	vimm.f32 $0.0e+00;
	v1 =	vimm.s32 $0x0;
	v2 =	vimm.s32 $0x400;
	[dreg:$0x9] =	wrdreg s25;
	s25 =	simm.s32 $0x14B80;
	s0 =	simm.s32 $0xCA80  }
.LBB2_10:
0x16: {  	[tilespmem:s10], [sflag:$0x6] =	stream.indirect.gather @!p1 [hbm4b:s5+s9], $0x80, s6, s9, $0xb8;
	[tilespmem:$0x1C000] =	vst v63  }
.LBB2_11:
0x17: {  	s1 =	rddreg [dreg:$0x7];
	s6 =	simm.s32 $0x18B80  }
0x18: {  	[tilespmem:s6], [sflag:$0x7] =	stream.linear.gather [hbm4b:s1+s4], $0x20, $0x38;
	[tilespmem:$0x1C000] =	vst v63  }
0x19: {  	_ =	swait.ge [sflag:s16], $0x20  }
0x1a: {  	[sflag:s16] =	ssyncset.done $0x0  }
0x1b: {  	s11 =	simm.s32 $0x20;
	[sflag:s16] =	ssyncadd.s32 $0xFFFFFFE0  }
0x1c: {  	[tilespmem:s24], [sflag:$0x3] =	stream.indirect.gather [hbm4b:s5+s11], $0x80, s6, s11, $0xb8;
	[tilespmem:$0x1C000] =	vst v63  }
0x1d: {  	_ =	swait.ge [sflag:s19], $0x1000  }
0x1e: {  	[sflag:s19] =	ssyncset.done $0x0  }
0x1f: {  	s12 =	rddreg [dreg:$0x8];
	[sflag:s19] =	ssyncadd.s32 $0xFFFFF000  }
0x20: {  	[hbm4b:s12+s4] =	stream.linear.scatter [tilespmem:s24], [sflag:$0x7], $0x1000, $0x38;
	[tilespmem:$0x1C000] =	vst v63  }
0x21: {  	_ =	swait.ge [sflag:s16], $0x1000  }
0x22: {  	[sflag:s16] =	ssyncset.done $0x0  }
0x23: {  	s13 =	stileid.u32;
	[sflag:s16] =	ssyncadd.s32 $0xFFFFF000  }
0x24: {  	s1 =	sshll.u32 s13, $0x6;
	[bflag:$0x0] =	sbarrier.arrive $0xFFFF  }
0x25: {  	s21 =	sshrl.u32 s8, $0x3;
	s1 =	sor.u32 $0x1C07, s1;
	s7 =	rddreg [dreg:$0x9]  }
0x26: {  	[hbm:s7], [sflag:s1] =	dma.local [spmem:s21], $0x480  }
0x27: {  	_ =	swait.ge [sflag:s16], $0x480  }
0x28: {  	s2 =	sadd.s32 $0x1, s2;
	s22 =	rddreg [dreg:$0xa]  }
0x29: {  	p0 =	sne.s32 s2, s22  }
.Ltmp1:
0x2a: {  	_ = 	snop;
	(pc) =	sbr.rel @!p0 .LBB2_12-.Ltmp1, $3  }
0x2b: {  	_ =	sdelay $0x1  }
0x2c: {  	[sflag:s16] =	ssyncset.done $0x0  }
0x2d: {  	[sflag:s16] =	ssyncadd.s32 $0xFFFFFB80  }
.LBB2_1:
0x2e: {  	s1 =	rddreg [dreg:$0x5]  }
0x2f: {  	[tilespmem:s4], [sflag:$0x1] =	stream.linear.gather [hbm4b:s1+s4], $0x2710, $0x38;
	[tilespmem:$0x1C000] =	vst v63  }
0x30: {  	s21 =	rddreg [dreg:$0x6];
	s6 =	simm.s32 $0x2780  }
0x31: {  	[tilespmem:s6], [sflag:$0x2] =	stream.linear.gather [hbm4b:s21+s4], $0x2710, $0x38;
	[tilespmem:$0x1C000] =	vst v63  }
0x32: {  	s22 =	rddreg [dreg:$0x1];
	s1 =	simm.s32 $0x70;
	s6 =	simm.s32 $0x3C0  }
0x33: {  	[tilespmem:s14], [sflag:$0x3] =	stream.linear.gather [hbm4b:s22+s4], $0x2780, $0x38;
	[tilespmem:$0x1C000] =	vst v63  }
.LBB2_2:
0x34: {  	p0 =	sne.s32 s6, $0x8FC0;
	[tilespmem:s1+$0xCB80] =	vst v0  }
0x35: {  	[tilespmem:s1+$0xCB10] =	vst v0  }
0x36: {  	[tilespmem:s1+$0xCB20] =	vst v0  }
.Ltmp2:
0x37: {  	[tilespmem:s1+$0xCB30] =	vst v0;
	(pc) =	sbr.rel @p0 .LBB2_2-.Ltmp2, $4  }
0x38: {  	[tilespmem:s1+$0xCB40] =	vst v0  }
0x39: {  	[tilespmem:s1+$0xCB50] =	vst v0  }
0x3a: {  	[tilespmem:s1+$0xCB60] =	vst v0  }
0x3b: {  	[tilespmem:s1+$0xCB70] =	vst v0;
	s1 =	sshra.s32 s6, $0x2;
	s6 =	sadd.s32 $0x200, s6  }
0x3c: {  	[tilespmem:s1+$0xCB80] =	vst v0  }
0x3d: {  	[tilespmem:s1+$0xCB10] =	vst v0  }
0x3e: {  	[tilespmem:s1+$0xCB20] =	vst v0  }
0x3f: {  	[tilespmem:s1+$0xCB30] =	vst v0  }
0x40: {  	[tilespmem:s1+$0xCB40] =	vst v0  }
0x41: {  	[tilespmem:s1+$0xCB50] =	vst v0  }
0x42: {  	[tilespmem:s1+$0xCB60] =	vst v0  }
0x43: {  	[tilespmem:s1+$0xCB70] =	vst v0  }
0x44: {  	[spmem:s8] =	stream.linear.scatter [tilespmem:s15], [sflag:$0x7], $0x2400, $0x38;
	[tilespmem:$0x1C000] =	vst v63  }
0x45: {  	_ =	swait.ge [sflag:s16], $0x2400  }
0x46: {  	[sflag:s16] =	ssyncset.done $0x0  }
0x47: {  	[sflag:s16] =	ssyncadd.s32 $0xFFFFDC00  }
0x48: {  	[bflag:$0x0] =	sbarrier.arrive $0xFFFF  }
0x49: {  	_ =	swait.ge [sflag:s17], $0x2710  }
0x4a: {  	[sflag:s17] =	ssyncset.done $0x0  }
0x4b: {  	[sflag:s17] =	ssyncadd.s32 $0xFFFFD8F0  }
0x4c: {  	_ =	swait.ge [sflag:s18], $0x2710  }
0x4d: {  	[sflag:s18] =	ssyncset.done $0x0  }
0x4e: {  	[sflag:s18] =	ssyncadd.s32 $0xFFFFD8F0  }
0x4f: {  	_ =	swait.ge [sflag:s19], $0x2780  }
0x50: {  	[sflag:s19] =	ssyncset.done $0x0  }
0x51: {  	s22 =	simm.s32 $0x0;
	[sflag:s19] =	ssyncadd.s32 $0xFFFFD880  }
0x52: {  	v3 =	vld [tilespmem:s22+$0x2780];
	_ =	sdelay $0x7  }
0x53: {  	v3 =	vld.idx.msk [tilespmem:v3+s14+$0x0], $0xffff;
	_ =	sdelay $0x4  }
0x54: {  	v4 =	vld [tilespmem:s22+$0x0];
	vm0 =	vgt.s32 v3, $0xFFFFFFFF  }
0x55: {  	v5 =	vsel vm0, $0x1, v1  }
0x56: {  	(xrf0) =	vadd.scan.msk.s32 $0xffff, v5;
	_ =	sdelay $0x1  }
0x57: {  	s1 =	simm.s32 $0x0  }
0x58: {  	[tilespmem:s1+$0x7680] =	vst.msk vm0, v4  }
0x59: {  	s6 =	simm.s32 $0x10;
	s7 =	simm.s32 $0x80;
	[tilespmem:s1+$0xA000] =	vst.msk vm0, v3  }
.LBB2_4:
0x5a: {  	p0 =	sne.s32 s7, $0x9C00;
	v3 =	vld [tilespmem:s6+$0x2780]  }
0x5b: {  	v4, _, _ =	vpop (xrf0)  }
0x5c: {  	(v2sf) =	vpush v4, $0xF;
	_ =	sdelay $0x5  }
0x5d: {  	v3 =	vld.idx.msk [tilespmem:v3+s14+$0x0], $0xffff;
	_ =	sdelay $0x5  }
0x5e: {  	vm0 =	vgt.s32 v3, $0xFFFFFFFF;
	v4 =	vld [tilespmem:s6+$0x0]  }
0x5f: {  	v5 =	vsel vm0, $0x1, v1  }
.Ltmp3:
0x60: {  	(xrf0) =	vadd.scan.msk.s32 $0xffff, v5;
	(pc) =	sbr.rel @p0 .LBB2_4-.Ltmp3, $4  }
0x61: {  	s6 =	spop (v2sf)  }
0x62: {  	s1 =	sadd.s32 s1, s6  }
0x63: {  	[tilespmem:s1+$0x7680] =	vst.msk vm0, v4  }
0x64: {  	s6 =	sshra.s32 s7, $0x2;
	s7 =	sadd.s32 $0x40, s7;
	[tilespmem:s1+$0xA000] =	vst.msk vm0, v3  }
0x65: {  	v3 =	vld [tilespmem:s6+$0x2780];
	_ =	sdelay $0x7  }
0x66: {  	v3 =	vld.idx.msk [tilespmem:v3+s14+$0x0], $0xffff;
	_ =	sdelay $0x4  }
0x67: {  	vm0 =	vgt.s32 v3, $0xFFFFFFFF  }
0x68: {  	v4 =	vsel vm0, $0x1, v1  }
0x69: {  	(xrf0) =	vadd.scan.msk.s32 $0xffff, v4;
	_ =	sdelay $0x4  }
0x6a: {  	v4, _, _ =	vpop (xrf0)  }
0x6b: {  	(v2sf) =	vpush v4, $0xF;
	v4, _, _ =	vpop (xrf0)  }
0x6c: {  	(v2sf) =	vpush v4, $0xF;
	_ =	sdelay $0xd  }
0x6d: {  	s7 =	spop (v2sf)  }
0x6e: {  	v5 =	vld [tilespmem:s6+$0x0];
	s7 =	sadd.s32 s1, s7;
	s9 =	spop (v2sf)  }
0x6f: {  	s1 =	sadd.s32 s7, s9  }
0x70: {  	s1 =	sshll.u32 s1, $0x2  }
0x71: {  	s1 =	sshra.s32 s1, $0x2  }
0x72: {  	s22 =	sadd.s32 $0x7680, s1  }
0x73: {  	[tilespmem:s7+$0x7680] =	vst.msk vm0, v5;
	s10 =	sadd.s32 $0xA000, s1;
	v4 =	vmov s22  }
0x74: {  	[tilespmem:s7+$0xA000] =	vst.msk vm0, v3;
	v3 =	vmov s10;
	_ =	sdelay $0x2  }
0x75: {  	s1 =	simm.s32 $0x0  }
0x76: {  	s6 =	sadd.s32 s7, s9;
	s7 =	simm.s32 $0x40;
	[tilespmem:v4+s1+$0x0 ss:$0x1] =	vst.idx.msk $0xffff, v1  }
.LBB2_6:
0x77: {  	p0 =	sne.s32 s7, $0x5C0;
	[tilespmem:v3+s1+$0x0 ss:$0x1] =	vst.idx.msk $0xffff, v2;
	s1 =	smov.u32 s7;
	s7 =	sadd.s32 $0x40, s7  }
.Ltmp4:
0x78: {  	(pc) =	sbr.rel @p0 .LBB2_6-.Ltmp4, $3  }
0x79: {  	_ =	sdelay $0x1  }
0x7a: {  	s1 =	sshra.s32 s1, $0x2  }
0x7b: {  	[tilespmem:v4+s1+$0x0 ss:$0x1] =	vst.idx.msk $0xffff, v1  }
0x7c: {  	s7 =	sadd.s32 $0x17F, s6  }
0x7d: {  	s9 =	smulhi.u32 $0x2AAAAAAB, s7;
	s10 =	sshra.s32 s7, $0x1F  }
0x7e: {  	s10 =	smul.u32 $0x2AAAAAAB, s10;
	_ =	sdelay $0x1  }
0x7f: {  	s9 =	sadd.s32 s10, s9  }
0x80: {  	s10 =	sshrl.u32 s9, $0x1F;
	s9 =	sshra.s32 s9, $0x6  }
0x81: {  	s9 =	sadd.s32 s10, s9  }
0x82: {  	s10 =	smul.u32 $0xFFFFFE80, s9  }
0x83: {  	s22 =	ssub.s32 $0xFFFFFE81, s6  }
0x84: {  	p0 =	slt.s32 s7, $0x1;
	p1 =	sne.s32 s10, s22  }
0x85: {  	p0 =	por !p0, !p1  }
0x86: {  	s6 =	simm.s32 $0x1;
	p0 =	por !p0, !p0  }
0x87: {  	s6 =	simm.s32 @!p0 $0x0  }
0x88: {  	s13 =	ssub.s32 s9, s6  }
0x89: {  	p0 =	slt.s32 s13, $0x1  }
.Ltmp5:
0x8a: {  	_ = 	snop;
	(pc) =	sbr.rel @p0 .LBB2_11-.Ltmp5, $2  }
0x8b: {  	_ =	sdelay $0x2  }
0x8c: {  	[tilespmem:v3+s1+$0x0 ss:$0x1] =	vst.idx.msk $0xffff, v2  }
0x8d: {  	s1 =	simm.s32 $0x7680  }
0x8e: {  	[tilespmem:s15], [sflag:$0x4] =	stream.indirect.gather [hbm4b:s5+s20], $0x80, s1, s20, $0xb8;
	[tilespmem:$0x1C000] =	vst v63  }
0x8f: {  	s21 =	simm.s32 $0x7700  }
0x90: {  	[tilespmem:s23], [sflag:$0x5] =	stream.indirect.gather [hbm4b:s5+s20], $0x80, s21, s20, $0xb8;
	[tilespmem:$0x1C000] =	vst v63  }
0x91: {  	s22 =	simm.s32 $0x7780  }
0x92: {  	[tilespmem:s25], [sflag:$0x6] =	stream.indirect.gather [hbm4b:s5+s20], $0x80, s22, s20, $0xb8;
	[tilespmem:$0x1C000] =	vst v63  }
0x93: {  	_ =	swait.ge [sflag:s26], $0x4000  }
0x94: {  	[sflag:s26] =	ssyncset.done $0x0  }
0x95: {  	s22 =	simm.s32 $0xA0C0;
	[sflag:s26] =	ssyncadd.s32 $0xFFFFC000  }
0x96: {  	v3 =	vld [tilespmem:s22+$0xFFFFFF40];
	_ =	sdelay $0x4  }
0x97: {  	[tilespmem:$0xC980] =	vst v3  }
0x98: {  	v3 =	vld [tilespmem:s22+$0xFFFFFF50];
	_ =	sdelay $0x4  }
0x99: {  	[tilespmem:$0xC990] =	vst v3  }
0x9a: {  	v3 =	vld [tilespmem:s22+$0xFFFFFF60];
	_ =	sdelay $0x4  }
0x9b: {  	[tilespmem:$0xC9A0] =	vst v3  }
0x9c: {  	v3 =	vld [tilespmem:s22+$0xFFFFFF70];
	_ =	sdelay $0x4  }
0x9d: {  	[tilespmem:$0xC9B0] =	vst v3  }
0x9e: {  	v3 =	vld [tilespmem:s22+$0xFFFFFF80];
	_ =	sdelay $0x4  }
0x9f: {  	[tilespmem:$0xC9C0] =	vst v3  }
0xa0: {  	v3 =	vld [tilespmem:s22+$0xFFFFFF90];
	_ =	sdelay $0x4  }
0xa1: {  	[tilespmem:$0xC9D0] =	vst v3  }
0xa2: {  	v3 =	vld [tilespmem:s22+$0xFFFFFFA0];
	_ =	sdelay $0x4  }
0xa3: {  	[tilespmem:$0xC9E0] =	vst v3  }
0xa4: {  	v3 =	vld [tilespmem:s22+$0xFFFFFFB0];
	_ =	sdelay $0x4  }
0xa5: {  	[tilespmem:$0xC9F0] =	vst v3  }
0xa6: {  	[spmem:s3] =	stream.indirect.scatter.add.f32 [tilespmem:s15], [sflag:$0x7], $0x80, s28, s20, $0xb8;
	[tilespmem:$0x1C000] =	vst v63  }
0xa7: {  	_ =	swait.ge [sflag:s16], $0x4000  }
0xa8: {  	[sflag:s16] =	ssyncset.done $0x0  }
0xa9: {  	[sflag:s16] =	ssyncadd.s32 $0xFFFFC000  }
0xaa: {  	_ =	swait.ge [sflag:s29], $0x4000  }
0xab: {  	[sflag:s29] =	ssyncset.done $0x0  }
0xac: {  	[sflag:s29] =	ssyncadd.s32 $0xFFFFC000  }
0xad: {  	v3 =	vld [tilespmem:s22+$0xFFFFFFC0];
	_ =	sdelay $0x4  }
0xae: {  	[tilespmem:$0xCA00] =	vst v3  }
0xaf: {  	v3 =	vld [tilespmem:s22+$0xFFFFFFD0];
	_ =	sdelay $0x4  }
0xb0: {  	[tilespmem:$0xCA10] =	vst v3  }
0xb1: {  	v3 =	vld [tilespmem:s22+$0xFFFFFFE0];
	_ =	sdelay $0x4  }
0xb2: {  	[tilespmem:$0xCA20] =	vst v3  }
0xb3: {  	v3 =	vld [tilespmem:s22+$0xFFFFFFF0];
	_ =	sdelay $0x4  }
0xb4: {  	[tilespmem:$0xCA30] =	vst v3  }
0xb5: {  	v3 =	vld [tilespmem:s22+$0x0];
	_ =	sdelay $0x4  }
0xb6: {  	[tilespmem:$0xCA40] =	vst v3  }
0xb7: {  	v3 =	vld [tilespmem:s22+$0x10];
	_ =	sdelay $0x4  }
0xb8: {  	[tilespmem:$0xCA50] =	vst v3  }
0xb9: {  	v3 =	vld [tilespmem:s22+$0x20];
	_ =	sdelay $0x4  }
0xba: {  	[tilespmem:$0xCA60] =	vst v3  }
0xbb: {  	v3 =	vld [tilespmem:s22+$0x30];
	_ =	sdelay $0x4  }
0xbc: {  	[tilespmem:$0xCA70] =	vst v3  }
0xbd: {  	[spmem:s3] =	stream.indirect.scatter.add.f32 [tilespmem:s23], [sflag:$0x7], $0x80, s30, s20, $0xb8;
	[tilespmem:$0x1C000] =	vst v63  }
0xbe: {  	_ =	swait.ge [sflag:s16], $0x4000  }
0xbf: {  	[sflag:s16] =	ssyncset.done $0x0  }
0xc0: {  	[sflag:s16] =	ssyncadd.s32 $0xFFFFC000  }
0xc1: {  	_ =	swait.ge [sflag:s31], $0x4000  }
0xc2: {  	[sflag:s31] =	ssyncset.done $0x0  }
0xc3: {  	[sflag:s31] =	ssyncadd.s32 $0xFFFFC000  }
0xc4: {  	v3 =	vld [tilespmem:s22+$0x40];
	_ =	sdelay $0x4  }
0xc5: {  	[tilespmem:$0xCA80] =	vst v3  }
0xc6: {  	v3 =	vld [tilespmem:s22+$0x50];
	_ =	sdelay $0x4  }
0xc7: {  	[tilespmem:$0xCA90] =	vst v3  }
0xc8: {  	v3 =	vld [tilespmem:s22+$0x60];
	_ =	sdelay $0x4  }
0xc9: {  	[tilespmem:$0xCAA0] =	vst v3  }
0xca: {  	v3 =	vld [tilespmem:s22+$0x70];
	_ =	sdelay $0x4  }
0xcb: {  	[tilespmem:$0xCAB0] =	vst v3  }
0xcc: {  	v3 =	vld [tilespmem:s22+$0x80];
	_ =	sdelay $0x4  }
0xcd: {  	[tilespmem:$0xCAC0] =	vst v3  }
0xce: {  	v3 =	vld [tilespmem:s22+$0x90];
	_ =	sdelay $0x4  }
0xcf: {  	[tilespmem:$0xCAD0] =	vst v3  }
0xd0: {  	v3 =	vld [tilespmem:s22+$0xA0];
	_ =	sdelay $0x4  }
0xd1: {  	[tilespmem:$0xCAE0] =	vst v3  }
0xd2: {  	v3 =	vld [tilespmem:s22+$0xB0];
	_ =	sdelay $0x4  }
0xd3: {  	[tilespmem:$0xCAF0] =	vst v3  }
0xd4: {  	[spmem:s3] =	stream.indirect.scatter.add.f32 [tilespmem:s25], [sflag:$0x7], $0x80, s0, s20, $0xb8;
	[tilespmem:$0x1C000] =	vst v63  }
0xd5: {  	p1 =	sle.s32 s13, $0x1;
	p0 =	sne.s32 s13, $0x1;
	_ =	swait.ge [sflag:s16], $0x4000  }
0xd6: {  	s1 =	simm.s32 @!p1 $0x7800;
	s9 =	simm.s32 @!p1 $0x80;
	[sflag:s16] =	ssyncset.done $0x0  }
.Ltmp6:
0xd7: {  	s6 =	simm.s32 @!p1 $0xCB80;
	[sflag:s16] =	ssyncadd.s32 $0xFFFFC000;
	(pc) =	sbr.rel @!p0 .LBB2_10-.Ltmp6, $4  }
0xd8: {  	[tilespmem:s6], [sflag:$0x4] =	stream.indirect.gather @!p1 [hbm4b:s5+s9], $0x80, s1, s9, $0xb8;
	[tilespmem:$0x1C000] =	vst v63  }
0xd9: {  	s7 =	simm.s32 $0x7900;
	s1 =	simm.s32 @!p1 $0x7880;
	s6 =	simm.s32 @!p1 $0x10B80  }
0xda: {  	[tilespmem:s6], [sflag:$0x5] =	stream.indirect.gather @!p1 [hbm4b:s5+s9], $0x80, s1, s9, $0xb8;
	[tilespmem:$0x1C000] =	vst v63  }
0xdb: {  	s10 =	simm.s32 @!p1 $0x14B80;
	s6 =	simm.s32 $0x7900;
	s1 =	simm.s32 $0x1  }
.LBB2_9:
0xdc: {  	s1 =	sadd.s32 $0x1, s1;
	s7 =	sadd.s32 $0x180, s7;
	s22 =	sadd.s32 $0x180, s22  }
0xdd: {  	[tilespmem:s10], [sflag:$0x6] =	stream.indirect.gather @!p1 [hbm4b:s5+s9], $0x80, s6, s9, $0xb8;
	[tilespmem:$0x1C000] =	vst v63  }
0xde: {  	p0 =	sne.s32 s13, s1;
	s6 =	smov.u32 s7;
	_ =	swait.ge [sflag:s26], $0x4000  }
0xdf: {  	[sflag:s26] =	ssyncset.done $0x0  }
0xe0: {  	[sflag:s26] =	ssyncadd.s32 $0xFFFFC000  }
0xe1: {  	v3 =	vld [tilespmem:s22+$0xFFFFFF40];
	_ =	sdelay $0x4  }
0xe2: {  	[tilespmem:$0xC980] =	vst v3  }
0xe3: {  	v3 =	vld [tilespmem:s22+$0xFFFFFF50];
	_ =	sdelay $0x4  }
0xe4: {  	[tilespmem:$0xC990] =	vst v3  }
0xe5: {  	v3 =	vld [tilespmem:s22+$0xFFFFFF60];
	_ =	sdelay $0x4  }
0xe6: {  	[tilespmem:$0xC9A0] =	vst v3  }
0xe7: {  	v3 =	vld [tilespmem:s22+$0xFFFFFF70];
	_ =	sdelay $0x4  }
0xe8: {  	[tilespmem:$0xC9B0] =	vst v3  }
0xe9: {  	v3 =	vld [tilespmem:s22+$0xFFFFFF80];
	_ =	sdelay $0x4  }
0xea: {  	[tilespmem:$0xC9C0] =	vst v3  }
0xeb: {  	v3 =	vld [tilespmem:s22+$0xFFFFFF90];
	_ =	sdelay $0x4  }
0xec: {  	[tilespmem:$0xC9D0] =	vst v3  }
0xed: {  	v3 =	vld [tilespmem:s22+$0xFFFFFFA0];
	_ =	sdelay $0x4  }
0xee: {  	[tilespmem:$0xC9E0] =	vst v3  }
0xef: {  	v3 =	vld [tilespmem:s22+$0xFFFFFFB0];
	_ =	sdelay $0x4  }
0xf0: {  	[tilespmem:$0xC9F0] =	vst v3  }
0xf1: {  	[spmem:s3] =	stream.indirect.scatter.add.f32 [tilespmem:s15], [sflag:$0x7], $0x80, s28, s20, $0xb8;
	[tilespmem:$0x1C000] =	vst v63  }
0xf2: {  	_ =	swait.ge [sflag:s16], $0x4000  }
0xf3: {  	[sflag:s16] =	ssyncset.done $0x0  }
0xf4: {  	[sflag:s16] =	ssyncadd.s32 $0xFFFFC000  }
0xf5: {  	_ =	swait.ge [sflag:s29], $0x4000  }
0xf6: {  	[sflag:s29] =	ssyncset.done $0x0  }
0xf7: {  	[sflag:s29] =	ssyncadd.s32 $0xFFFFC000  }
0xf8: {  	v3 =	vld [tilespmem:s22+$0xFFFFFFC0];
	_ =	sdelay $0x4  }
0xf9: {  	[tilespmem:$0xCA00] =	vst v3  }
0xfa: {  	v3 =	vld [tilespmem:s22+$0xFFFFFFD0];
	_ =	sdelay $0x4  }
0xfb: {  	[tilespmem:$0xCA10] =	vst v3  }
0xfc: {  	v3 =	vld [tilespmem:s22+$0xFFFFFFE0];
	_ =	sdelay $0x4  }
0xfd: {  	[tilespmem:$0xCA20] =	vst v3  }
0xfe: {  	v3 =	vld [tilespmem:s22+$0xFFFFFFF0];
	_ =	sdelay $0x4  }
0xff: {  	[tilespmem:$0xCA30] =	vst v3  }
0x100: {  	v3 =	vld [tilespmem:s22+$0x0];
	_ =	sdelay $0x4  }
0x101: {  	[tilespmem:$0xCA40] =	vst v3  }
0x102: {  	v3 =	vld [tilespmem:s22+$0x10];
	_ =	sdelay $0x4  }
0x103: {  	[tilespmem:$0xCA50] =	vst v3  }
0x104: {  	v3 =	vld [tilespmem:s22+$0x20];
	_ =	sdelay $0x4  }
0x105: {  	[tilespmem:$0xCA60] =	vst v3  }
0x106: {  	v3 =	vld [tilespmem:s22+$0x30];
	_ =	sdelay $0x4  }
0x107: {  	[tilespmem:$0xCA70] =	vst v3  }
0x108: {  	[spmem:s3] =	stream.indirect.scatter.add.f32 [tilespmem:s23], [sflag:$0x7], $0x80, s30, s20, $0xb8;
	[tilespmem:$0x1C000] =	vst v63  }
0x109: {  	_ =	swait.ge [sflag:s16], $0x4000  }
0x10a: {  	[sflag:s16] =	ssyncset.done $0x0  }
0x10b: {  	[sflag:s16] =	ssyncadd.s32 $0xFFFFC000  }
0x10c: {  	_ =	swait.ge [sflag:s31], $0x4000  }
0x10d: {  	[sflag:s31] =	ssyncset.done $0x0  }
0x10e: {  	[sflag:s31] =	ssyncadd.s32 $0xFFFFC000  }
0x10f: {  	v3 =	vld [tilespmem:s22+$0x40];
	_ =	sdelay $0x4  }
0x110: {  	[tilespmem:$0xCA80] =	vst v3  }
0x111: {  	v3 =	vld [tilespmem:s22+$0x50];
	_ =	sdelay $0x4  }
0x112: {  	[tilespmem:$0xCA90] =	vst v3  }
0x113: {  	v3 =	vld [tilespmem:s22+$0x60];
	_ =	sdelay $0x4  }
0x114: {  	[tilespmem:$0xCAA0] =	vst v3  }
0x115: {  	v3 =	vld [tilespmem:s22+$0x70];
	_ =	sdelay $0x4  }
0x116: {  	[tilespmem:$0xCAB0] =	vst v3  }
0x117: {  	v3 =	vld [tilespmem:s22+$0x80];
	_ =	sdelay $0x4  }
0x118: {  	[tilespmem:$0xCAC0] =	vst v3  }
0x119: {  	v3 =	vld [tilespmem:s22+$0x90];
	_ =	sdelay $0x4  }
0x11a: {  	[tilespmem:$0xCAD0] =	vst v3  }
0x11b: {  	v3 =	vld [tilespmem:s22+$0xA0];
	_ =	sdelay $0x4  }
0x11c: {  	[tilespmem:$0xCAE0] =	vst v3  }
0x11d: {  	v3 =	vld [tilespmem:s22+$0xB0];
	_ =	sdelay $0x4  }
0x11e: {  	[tilespmem:$0xCAF0] =	vst v3  }
0x11f: {  	[spmem:s3] =	stream.indirect.scatter.add.f32 [tilespmem:s25], [sflag:$0x7], $0x80, s0, s20, $0xb8;
	[tilespmem:$0x1C000] =	vst v63  }
0x120: {  	p1 =	sge.s32 s1, s13;
	_ =	swait.ge [sflag:s16], $0x4000  }
0x121: {  	s10 =	sadd.s32 @!p1 $0xFFFFFF00, s7;
	[sflag:s16] =	ssyncset.done $0x0  }
.Ltmp7:
0x122: {  	s9 =	simm.s32 @!p1 $0x80;
	[sflag:s16] =	ssyncadd.s32 $0xFFFFC000;
	(pc) =	sbr.rel @p0 .LBB2_9-.Ltmp7, $4  }
0x123: {  	s11 =	simm.s32 @!p1 $0xCB80;
	s12 =	sadd.s32 @!p1 $0xFFFFFF80, s7;
	s21 =	simm.s32 @!p1 $0x10B80  }
0x124: {  	[tilespmem:s11], [sflag:$0x4] =	stream.indirect.gather @!p1 [hbm4b:s5+s9], $0x80, s10, s9, $0xb8;
	[tilespmem:$0x1C000] =	vst v63  }
0x125: {  	s10 =	simm.s32 @!p1 $0x14B80  }
0x126: {  	[tilespmem:s21], [sflag:$0x5] =	stream.indirect.gather @!p1 [hbm4b:s5+s9], $0x80, s12, s9, $0xb8;
	[tilespmem:$0x1C000] =	vst v63  }
.Ltmp8:
0x127: {  	_ = 	snop;
	(pc) =	sbr.rel .LBB2_10-.Ltmp8, $1  }
0x128: {  	_ =	sdelay $0x3  }
.LBB2_12:
0x129: {  	_ =	sfence.sel $0x180000  }
0x12a: {  	[bflag:$0x0] =	sbarrier.arrive $0xFFFF  }
0x12b: {  	_ =	strace $0x9000004A  }
0x12c: {  	s0 =	stileid.u32;
	[bflag:$0x2] =	sbarrier.arrive $0xFFFF  }
0x12d: {  	p0 =	sne.s32 s0, $0x0;
	s0 =	rddreg [dreg:$0x4]  }
0x12e: {  	s0 =	sadd.s32 @!p0 $0x100000, s0  }
0x12f: {  	[sflag:s0] =	ssyncadd.tile.s32 @!p0 $0x1;
	_ =	shalt  }
.Lfunc_end2:
_tile_overlayer_lowered:
.L_overlay_start_2:
0x130: {  	(tag) =	ssettag $0x2  }
0x131: {  	s0 =	rddreg [dreg:$0x0];
	s2 =	stileid.u32  }
0x132: {  	s1 =	rddreg [dreg:$0x1];
	p0 =	sne.s32 s2, $0x0  }
0x133: {  	s3 =	rddreg [dreg:$0x2];
	[bflag:$0x3] =	sbarrier.arrive $0xFFFF;
	s2 =	simm.s32 @!p0 $0x1C07  }
0x134: {  	[timem:s3], [sflag:s2] =	dma.local @!p0 [hbm:s0], s1  }
0x135: {  	s0 =	simm.s32 @!p0 $0x7  }
0x136: {  	_ =	swait.ge @!p0 [sflag:s0], s1  }
0x137: {  	s1 =	ssub.s32 @!p0 $0x0, s1;
	[sflag:s0] =	ssyncset.done @!p0 $0x0  }
0x138: {  	[sflag:s0] =	ssyncadd.s32 @!p0 s1  }
0x139: {  	[bflag:$0x3] =	sbarrier.arrive $0xFFFF  }
0x13a: {  	_ =	shalt  }

</sc_bundles>
